<compile_context>
chip_gen: v7x
topology: tpu7x:2x2x1
jax: 0.10.2.dev20260603
libtpu: 0.0.44.dev20260713+nightly
codegen_flags: <defaults>
</compile_context>

<pallas_src>
import functools

import jax
import jax.numpy as jnp
from jax import lax
from jax.experimental import pallas as pl
from jax.experimental.pallas import tpu as pltpu
from jax.experimental.pallas import tpu_sc as plsc

B, S, R, A = 32, 64, 128, 256
WORD_DIM = 128
REL_DIM = 128
ENT_DIM = 128
HIST_DIM = 256
MAX_HOP = 3
ACTION_DIM = REL_DIM + ENT_DIM
NO_OP = 2
NEG = -1e9

ECH = 128


def _sc_gather_word(batch_question, word_emb):
    info = plsc.get_sparse_core_info()
    nc = info.num_cores
    mesh = plsc.VectorSubcoreMesh(core_axis_name="c", subcore_axis_name="s")

    @functools.partial(
        pl.kernel,
        out_type=jax.ShapeDtypeStruct((B, S, WORD_DIM), jnp.float32),
        mesh=mesh,
        scratch_types=[
            pltpu.VMEM((S,), jnp.int32),
            pltpu.VMEM((S, WORD_DIM), jnp.float32),
            pltpu.SemaphoreType.DMA,
        ],
    )
    def k(qidx_hbm, word_hbm, qout_hbm, qi_v, qr_v, sem):
        wid = lax.axis_index("s") * nc + lax.axis_index("c")
        pltpu.sync_copy(qidx_hbm.at[wid], qi_v)
        pltpu.async_copy(word_hbm.at[qi_v], qr_v, sem).wait()
        pltpu.sync_copy(qr_v, qout_hbm.at[wid])

    return k(batch_question, word_emb)


def _sc_gather_ent(e_space, ent_emb):
    info = plsc.get_sparse_core_info()
    nc = info.num_cores
    mesh = plsc.VectorSubcoreMesh(core_axis_name="c", subcore_axis_name="s")

    @functools.partial(
        pl.kernel,
        out_type=jax.ShapeDtypeStruct((B, A, ENT_DIM), jnp.float32),
        mesh=mesh,
        scratch_types=[
            pltpu.VMEM((ECH,), jnp.int32),
            pltpu.VMEM((ECH,), jnp.int32),
            pltpu.VMEM((ECH, ENT_DIM), jnp.float32),
            pltpu.VMEM((ECH, ENT_DIM), jnp.float32),
            pltpu.SemaphoreType.DMA,
            pltpu.SemaphoreType.DMA,
        ],
    )
    def k(eidx_hbm, ent_hbm, eout_hbm, ei0_v, ei1_v, er0_v, er1_v, s0, s1):
        wid = lax.axis_index("s") * nc + lax.axis_index("c")
        pltpu.sync_copy(eidx_hbm.at[wid, pl.ds(0, ECH)], ei0_v)
        pltpu.sync_copy(eidx_hbm.at[wid, pl.ds(ECH, ECH)], ei1_v)
        c0 = pltpu.async_copy(ent_hbm.at[ei0_v], er0_v, s0)
        c1 = pltpu.async_copy(ent_hbm.at[ei1_v], er1_v, s1)
        c0.wait()
        pltpu.sync_copy(er0_v, eout_hbm.at[wid, pl.ds(0, ECH)])
        c1.wait()
        pltpu.sync_copy(er1_v, eout_hbm.at[wid, pl.ds(ECH, ECH)])

    return k(e_space, ent_emb)


NB = 16


def _tc1_body(slen_ref, batt_ref, qe_ref, wsa_ref, bsa_ref, watt_ref,
              rel_ref, ph_ref, w1_ref, b1_ref, w2_ref, b2_ref,
              x2_ref, srel_ref):
    f32 = jnp.float32
    g0 = pl.program_id(0)
    wsa = wsa_ref[...]
    bsa = bsa_ref[...]
    watt = watt_ref[...]
    rel = rel_ref[...]
    w1 = w1_ref[...]
    w2 = w2_ref[...]
    b1v = b1_ref[...]
    b2v = b2_ref[...]
    sids = lax.broadcasted_iota(jnp.int32, (S, 1), 0)
    qe_all = qe_ref[...].reshape(NB * S, WORD_DIM)
    sv_all = jnp.tanh(
        jnp.dot(qe_all, wsa, preferred_element_type=f32) + bsa)
    u_all = sv_all * watt
    l_all = lax.dot_general(u_all, rel, (((1,), (1,)), ((), ())),
                            preferred_element_type=f32) + batt_ref[0]
    raqs = []
    for i in range(NB):
        b = g0 * NB + i
        sv = sv_all[i * S:(i + 1) * S]
        logits = jnp.where(sids >= slen_ref[b], NEG,
                           l_all[i * S:(i + 1) * S])
        m = jnp.max(logits, axis=0, keepdims=True)
        e = jnp.exp(logits - m)
        alpha = e / jnp.sum(e, axis=0, keepdims=True)
        raqs.append(lax.dot_general(alpha, sv, (((0,), (0,)), ((), ())),
                                    preferred_element_type=f32))
    raq_all = jnp.concatenate(raqs, axis=0)
    base_all = jnp.dot(ph_ref[...], w1[:HIST_DIM],
                       preferred_element_type=f32)
    y_all = jnp.dot(raq_all, w1[HIST_DIM:], preferred_element_type=f32)
    zs = [jnp.maximum(y_all[i * R:(i + 1) * R] + base_all[i:i + 1]
                      + b1v, 0.0) for i in range(NB)]
    z_all = jnp.concatenate(zs, axis=0)
    x2_all = jnp.dot(z_all, w2, preferred_element_type=f32) + b2v
    x2_ref[...] = x2_all[:, REL_DIM:]
    rel_tiled = jnp.concatenate([rel] * NB, axis=0)
    srel_ref[...] = jnp.dot(x2_all[:, :REL_DIM] * rel_tiled,
                            jnp.ones((REL_DIM, 1), f32),
                            preferred_element_type=f32)


def _tc1_call_kwargs():
    smem = pl.BlockSpec(memory_space=pltpu.SMEM)
    full = pl.BlockSpec
    return dict(
        grid=(B // NB,),
        in_specs=[
            smem,
            smem,
            full((NB, S, WORD_DIM), lambda b: (b, 0, 0)),
            full((WORD_DIM, REL_DIM), lambda b: (0, 0)),
            full((1, REL_DIM), lambda b: (0, 0)),
            full((1, REL_DIM), lambda b: (0, 0)),
            full((R, REL_DIM), lambda b: (0, 0)),
            full((NB, HIST_DIM), lambda b: (b, 0)),
            full((HIST_DIM + REL_DIM, ACTION_DIM), lambda b: (0, 0)),
            full((1, ACTION_DIM), lambda b: (0, 0)),
            full((ACTION_DIM, ACTION_DIM), lambda b: (0, 0)),
            full((1, ACTION_DIM), lambda b: (0, 0)),
        ],
        out_specs=[full((NB * R, ENT_DIM), lambda b: (b, 0)),
                   full((NB * R, 1), lambda b: (b, 0))],
        out_shape=[jax.ShapeDtypeStruct((B * R, ENT_DIM), jnp.float32),
                   jax.ShapeDtypeStruct((B * R, 1), jnp.float32)],
        compiler_params=pltpu.CompilerParams(
            dimension_semantics=("arbitrary",)),
    )


NB2 = 16


def _tc2_body(tt_ref, lastr_ref, x2_ref, srel_ref, er_ref, rsp_ref, am_ref,
              out_ref):
    f32 = jnp.float32
    tt = tt_ref[0]
    aids = lax.broadcasted_iota(jnp.int32, (1, A), 1)
    riota = lax.broadcasted_iota(jnp.int32, (R, A), 0)
    x2_all = x2_ref[...]
    s_rel_all = srel_ref[...]
    rsp_all = rsp_ref[...]
    masked = []
    for i in range(NB2):
        p = lax.dot_general(x2_all[i * R:(i + 1) * R], er_ref[i],
                            (((1,), (1,)), ((), ())),
                            preferred_element_type=f32)
        oht = (rsp_all[i:i + 1] == riota).astype(f32)
        masked.append(oht * (p + s_rel_all[i * R:(i + 1) * R]))
    masked_all = jnp.concatenate(masked, axis=0)
    jj = lax.broadcasted_iota(jnp.int32, (NB2, NB2 * R), 0)
    kk = lax.broadcasted_iota(jnp.int32, (NB2, NB2 * R), 1)
    sel = (jj == (kk >> 7)).astype(f32)
    scores = jnp.dot(sel, masked_all, preferred_element_type=f32)
    amask = am_ref[...]
    is_noop = (rsp_all == NO_OP).astype(jnp.int32)
    am_first = (1 - is_noop) * amask
    am_last = is_noop * amask
    jm = 1 - (lastr_ref[...] == NO_OP).astype(jnp.int32)
    selfl = (aids == 0).astype(jnp.int32)
    am_mid = jm * amask + (1 - jm) * selfl
    am = jnp.where(tt == 0, am_first,
                   jnp.where(tt == MAX_HOP - 1, am_last, am_mid))
    scores = jnp.where(am > 0, scores, NEG)
    mm = jnp.max(scores, axis=1, keepdims=True)
    ee = jnp.exp(scores - mm)
    out_ref[...] = ee / jnp.sum(ee, axis=1, keepdims=True)


def _tc2_call_kwargs():
    smem = pl.BlockSpec(memory_space=pltpu.SMEM)
    full = pl.BlockSpec
    return dict(
        grid=(B // NB2,),
        in_specs=[
            smem,
            full((NB2, 1), lambda b: (b, 0)),
            full((NB2 * R, ENT_DIM), lambda b: (b, 0)),
            full((NB2 * R, 1), lambda b: (b, 0)),
            full((NB2, A, ENT_DIM), lambda b: (b, 0, 0)),
            full((NB2, A), lambda b: (b, 0)),
            full((NB2, A), lambda b: (b, 0)),
        ],
        out_specs=full((NB2, A), lambda b: (b, 0)),
        out_shape=jax.ShapeDtypeStruct((B, A), jnp.float32),
        compiler_params=pltpu.CompilerParams(
            dimension_semantics=("arbitrary",)),
    )


def kernel(t, batch_question, batch_sent_len, batch_path_hidden, last_r,
           r_space, e_space, action_mask, word_emb, rel_emb, ent_emb,
           W_sa, b_sa, W_att, b_att, W1, b1, W2, b2):
    q_rows = _sc_gather_word(batch_question, word_emb)
    e_rows = _sc_gather_ent(e_space, ent_emb)

    tt = jnp.asarray(t, jnp.int32).reshape(1)
    wsa_t = jnp.take(W_sa, t, axis=0)
    bsa_t = jnp.take(b_sa, t, axis=0).reshape(1, REL_DIM)
    watt_row = W_att[:, 0].reshape(1, REL_DIM)

    x2e, srel = pl.pallas_call(_tc1_body, **_tc1_call_kwargs())(
        batch_sent_len,
        b_att,
        q_rows,
        wsa_t,
        bsa_t,
        watt_row,
        rel_emb,
        batch_path_hidden,
        W1,
        b1.reshape(1, ACTION_DIM),
        W2,
        b2.reshape(1, ACTION_DIM),
    )
    return pl.pallas_call(_tc2_body, **_tc2_call_kwargs())(
        tt,
        last_r.reshape(B, 1),
        x2e,
        srel,
        e_rows,
        r_space,
        action_mask,
    )

# --- scband reference (transcript-rebuilt; emitter-appended) ---
"""Pipeline reference for scband-policy-network-38774964748846 (READ-ONLY COPY).

The authoritative reference and input builder live on the scoring server;
editing this copy changes nothing except your own understanding.
"""

import jax, jax.numpy as jnp
import numpy as np

B, S, R, A = 32, 64, 128, 256
WORD_NUM, ENT_NUM = 50000, 200000
WORD_DIM = 128; REL_DIM = 128; ENT_DIM = 128
HIST_DIM = 256
MAX_HOP = 3  # args.max_hop + 1
ACTION_DIM = REL_DIM + ENT_DIM
INPUT_DIM = HIST_DIM + REL_DIM
NO_OP = 2
NEG = -1e9


def setup_inputs(seed: int = 0):
    key = jax.random.key(seed)
    ks = jax.random.split(key, 20)
    sc = 0.02
    inp = {}
    inp["t"] = 1
    inp["batch_question"] = jax.random.randint(ks[0], (B, S), 0, WORD_NUM)
    inp["batch_sent_len"] = jnp.maximum(jax.random.randint(ks[1], (B,), 0, S), 1)
    inp["batch_path_hidden"] = jax.random.normal(ks[2], (B, HIST_DIM), dtype=jnp.float32)
    inp["last_r"] = jax.random.randint(ks[3], (B,), 0, R)
    inp["r_space"] = jax.random.randint(ks[4], (B, A), 0, R)
    inp["e_space"] = jax.random.randint(ks[5], (B, A), 0, ENT_NUM)
    am = jax.random.randint(ks[6], (B, A), 0, 2)
    inp["action_mask"] = am.at[:, 0].set(1)
    inp["word_emb"] = jax.random.normal(ks[7], (WORD_NUM, WORD_DIM), dtype=jnp.float32) * sc
    inp["rel_emb"] = jax.random.normal(ks[8], (R, REL_DIM), dtype=jnp.float32) * sc
    inp["ent_emb"] = jax.random.normal(ks[9], (ENT_NUM, ENT_DIM), dtype=jnp.float32) * sc
    inp["W_sa"] = jax.random.normal(ks[10], (MAX_HOP, WORD_DIM, REL_DIM), dtype=jnp.float32) * sc
    inp["b_sa"] = jnp.zeros((MAX_HOP, REL_DIM), dtype=jnp.float32)
    inp["W_att"] = jax.random.normal(ks[11], (REL_DIM, 1), dtype=jnp.float32) * sc
    inp["b_att"] = jnp.zeros((1,), dtype=jnp.float32)
    inp["W1"] = jax.random.normal(ks[12], (INPUT_DIM, ACTION_DIM), dtype=jnp.float32) * sc
    inp["b1"] = jnp.zeros((ACTION_DIM,), dtype=jnp.float32)
    inp["W2"] = jax.random.normal(ks[13], (ACTION_DIM, ACTION_DIM), dtype=jnp.float32) * sc
    inp["b2"] = jnp.zeros((ACTION_DIM,), dtype=jnp.float32)
    return inp


def _forward(t, batch_question, batch_sent_len, last_r, r_space, e_space, action_mask,
             batch_path_hidden, word_emb, rel_emb, ent_emb, W_sa, b_sa, W_att, b_att,
             W1, b1, W2, b2):
    # --- get_step_aware_representation (frozen KEQA transformer treated as identity encoder) ---
    q_emb = jnp.take(word_emb, batch_question, axis=0)                 # [B,S,Dw]
    pos = jnp.arange(S)[None, :]
    pad_mask = pos >= batch_sent_len[:, None]                          # [B,S] True = pad
    sv = jnp.tanh(q_emb @ W_sa[t] + b_sa[t])                           # [B,S,Dr]
    # --- get_relation_aware_question_vector ---
    dot = sv[:, None, :, :] * rel_emb[None, :, None, :]                # [B,R,S,Dr]
    lin = jnp.squeeze(dot @ W_att + b_att, -1)                         # [B,R,S]
    lin = jnp.where(pad_mask[:, None, :], NEG, lin)
    alpha = jax.nn.softmax(lin, axis=2)
    raq = jnp.einsum('brs,bsd->brd', alpha, sv)                        # [B,R,Dr]
    # --- gather relation-aware question vector per candidate action ---
    q_r = jnp.take_along_axis(raq, jnp.broadcast_to(r_space[:, :, None], (B, A, REL_DIM)), axis=1)
    ph = jnp.broadcast_to(batch_path_hidden[:, None, :], (B, A, HIST_DIM))
    inp_vec = jnp.concatenate([ph, q_r], axis=-1)                      # [B,A,INPUT_DIM]
    # --- policy_linear (dropout is eval-mode identity) ---
    X = jax.nn.relu(inp_vec @ W1 + b1)
    X2 = X @ W2 + b2                                                   # [B,A,ACTION_DIM]
    # --- get_action_embedding ---
    a_emb = jnp.concatenate([jnp.take(rel_emb, r_space, axis=0),
                             jnp.take(ent_emb, e_space, axis=0)], axis=-1)
    scores = jnp.sum(X2 * a_emb, axis=-1)                              # [B,A]
    # --- apply_action_masks ---
    amask = action_mask.astype(jnp.int32)
    judge_first = 1 - (r_space == NO_OP).astype(jnp.int32)
    am_first = judge_first * amask
    judge_last = (r_space == NO_OP).astype(jnp.int32)
    am_last = judge_last * amask
    judge_mid = 1 - (last_r == NO_OP).astype(jnp.int32)
    am_mid = judge_mid[:, None] * amask
    self_loop = jnp.zeros((B, A), dtype=jnp.int32).at[:, 0].set(1)
    self_loop = (1 - judge_mid)[:, None] * self_loop
    am_mid = am_mid + self_loop
    am = jnp.where(t == 0, am_first, jnp.where(t == MAX_HOP - 1, am_last, am_mid))
    scores = jnp.where(am > 0, scores, NEG)
    probs = jax.nn.softmax(scores, axis=-1)
    return probs


def reference(t, batch_question, batch_sent_len, batch_path_hidden, last_r, r_space,
              e_space, action_mask, word_emb, rel_emb, ent_emb, W_sa, b_sa, W_att, b_att,
              W1, b1, W2, b2):
    return _forward(t, batch_question, batch_sent_len, last_r, r_space, e_space, action_mask,
                    batch_path_hidden, word_emb, rel_emb, ent_emb, W_sa, b_sa, W_att, b_att,
                    W1, b1, W2, b2)

if __name__ == "__main__":
    import jax
    _d = setup_inputs()
    print(jax.jit(kernel)(*tuple(_d.values())))

</pallas_src>

<mosaic_0001>
#map = affine_map<(d0, d1) -> (0, 0)>
#map1 = affine_map<(d0, d1) -> (0, 0, 0)>
module attributes {stable_mosaic.version = 14 : i64} {
  func.func @k(%arg0: i32, %arg1: i32, %arg2: memref<32x64xi32, #tpu.memory_space<hbm>>, %arg3: memref<50000x128xf32, #tpu.memory_space<hbm>>, %arg4: memref<32x64x128xf32, #tpu.memory_space<hbm>>, %arg5: memref<64xi32, #tpu.memory_space<vmem>>, %arg6: memref<64x128xf32, #tpu.memory_space<vmem>>, %arg7: memref<!tpu.dma_semaphore, #tpu.memory_space<semaphore_mem>>) attributes {dimension_semantics = [#tpu.dimension_semantics<core_parallel>, #tpu.dimension_semantics<subcore_parallel>], iteration_bounds = array<i64: 2, 16>, scalar_prefetch = 0 : i64, scratch_operands = 3 : i64, tpu.core_type = #tpu.core_type<sc_vector_subcore>, window_params = [{transform_indices = #map}, {transform_indices = #map}, {transform_indices = #map1}]} {
    %mul3A = arith.constant 2 : i32
    %mul3A_0 = arith.muli %arg1, %mul3A : i32
    %add3A = arith.addi %mul3A_0, %arg0 : i32
    "tpu.region"() ({
      %run_scoped3A = tpu.sem_alloc : memref<!tpu.dma_semaphore, #tpu.memory_space<semaphore_mem>>
      %dma_start3A_5 = arith.constant 0 : i32
      %dma_start3A_6 = tpu.memref_slice %arg2[%add3A, %dma_start3A_5] : memref<32x64xi32, #tpu.memory_space<hbm>> -> memref<1x64xi32, #tpu.memory_space<hbm>>
      %dma_start3A_7 = tpu.memref_squeeze %dma_start3A_6 : memref<1x64xi32, #tpu.memory_space<hbm>> -> memref<64xi32, #tpu.memory_space<hbm>>
      %dma_start3A_8 = arith.constant 0 : i32
      %dma_start3A_9 = tpu.memref_slice %arg2[%add3A, %dma_start3A_8] : memref<32x64xi32, #tpu.memory_space<hbm>> -> memref<1x64xi32, #tpu.memory_space<hbm>>
      %dma_start3A_10 = tpu.memref_squeeze %dma_start3A_9 : memref<1x64xi32, #tpu.memory_space<hbm>> -> memref<64xi32, #tpu.memory_space<hbm>>
      tpu.enqueue_dma source(%dma_start3A_10 : memref<64xi32, #tpu.memory_space<hbm>>) target(%arg5 : memref<64xi32, #tpu.memory_space<vmem>>) target_semaphore(%run_scoped3A : memref<!tpu.dma_semaphore, #tpu.memory_space<semaphore_mem>>)
      %dma_wait3A_11 = arith.constant 0 : i32
      %dma_wait3A_12 = tpu.memref_slice %arg2[%add3A, %dma_wait3A_11] : memref<32x64xi32, #tpu.memory_space<hbm>> -> memref<1x64xi32, #tpu.memory_space<hbm>>
      %dma_wait3A_13 = tpu.memref_squeeze %dma_wait3A_12 : memref<1x64xi32, #tpu.memory_space<hbm>> -> memref<64xi32, #tpu.memory_space<hbm>>
      %dma_wait3A_14 = arith.constant 0 : i32
      %dma_wait3A_15 = tpu.memref_slice %arg2[%add3A, %dma_wait3A_14] : memref<32x64xi32, #tpu.memory_space<hbm>> -> memref<1x64xi32, #tpu.memory_space<hbm>>
      %dma_wait3A_16 = tpu.memref_squeeze %dma_wait3A_15 : memref<1x64xi32, #tpu.memory_space<hbm>> -> memref<64xi32, #tpu.memory_space<hbm>>
      tpu.wait_dma2 semaphore(%run_scoped3A : memref<!tpu.dma_semaphore, #tpu.memory_space<semaphore_mem>>) src(%dma_wait3A_16 : memref<64xi32, #tpu.memory_space<hbm>>) dst(%arg5 : memref<64xi32, #tpu.memory_space<vmem>>)
      tpu.yield
    }) : () -> ()
    %dma_start3A = arith.constant 0 : i32
    %dma_start3A_1 = arith.constant 0 : i32
    %dma_start3A_2 = tpu.memref_slice %arg3[%dma_start3A, %dma_start3A_1] : memref<50000x128xf32, #tpu.memory_space<hbm>> -> memref<50000x128xf32, #tpu.memory_space<hbm>>
    tpu.enqueue_indirect_dma source(%dma_start3A_2 : memref<50000x128xf32, #tpu.memory_space<hbm>>) target(%arg6 : memref<64x128xf32, #tpu.memory_space<vmem>>) offsets(%arg5 : memref<64xi32, #tpu.memory_space<vmem>>) semaphore(%arg7 : memref<!tpu.dma_semaphore, #tpu.memory_space<semaphore_mem>>)
    %dma_wait3A = arith.constant 0 : i32
    %dma_wait3A_3 = arith.constant 0 : i32
    %dma_wait3A_4 = tpu.memref_slice %arg3[%dma_wait3A, %dma_wait3A_3] : memref<50000x128xf32, #tpu.memory_space<hbm>> -> memref<50000x128xf32, #tpu.memory_space<hbm>>
    tpu.wait_indirect_dma semaphore(%arg7 : memref<!tpu.dma_semaphore, #tpu.memory_space<semaphore_mem>>) src(%dma_wait3A_4 : memref<50000x128xf32, #tpu.memory_space<hbm>>) dst(%arg6 : memref<64x128xf32, #tpu.memory_space<vmem>>)
    "tpu.region"() ({
      %run_scoped3A = tpu.sem_alloc : memref<!tpu.dma_semaphore, #tpu.memory_space<semaphore_mem>>
      %dma_start3A_5 = arith.constant 0 : i32
      %dma_start3A_6 = arith.constant 0 : i32
      %dma_start3A_7 = tpu.memref_slice %arg4[%add3A, %dma_start3A_5, %dma_start3A_6] : memref<32x64x128xf32, #tpu.memory_space<hbm>> -> memref<1x64x128xf32, #tpu.memory_space<hbm>>
      %dma_start3A_8 = tpu.memref_squeeze %dma_start3A_7 : memref<1x64x128xf32, #tpu.memory_space<hbm>> -> memref<64x128xf32, #tpu.memory_space<hbm>>
      %dma_start3A_9 = arith.constant 0 : i32
      %dma_start3A_10 = arith.constant 0 : i32
      %dma_start3A_11 = tpu.memref_slice %arg4[%add3A, %dma_start3A_9, %dma_start3A_10] : memref<32x64x128xf32, #tpu.memory_space<hbm>> -> memref<1x64x128xf32, #tpu.memory_space<hbm>>
      %dma_start3A_12 = tpu.memref_squeeze %dma_start3A_11 : memref<1x64x128xf32, #tpu.memory_space<hbm>> -> memref<64x128xf32, #tpu.memory_space<hbm>>
      tpu.enqueue_dma source(%arg6 : memref<64x128xf32, #tpu.memory_space<vmem>>) target(%dma_start3A_12 : memref<64x128xf32, #tpu.memory_space<hbm>>) target_semaphore(%run_scoped3A : memref<!tpu.dma_semaphore, #tpu.memory_space<semaphore_mem>>)
      %dma_wait3A_13 = arith.constant 0 : i32
      %dma_wait3A_14 = arith.constant 0 : i32
      %dma_wait3A_15 = tpu.memref_slice %arg4[%add3A, %dma_wait3A_13, %dma_wait3A_14] : memref<32x64x128xf32, #tpu.memory_space<hbm>> -> memref<1x64x128xf32, #tpu.memory_space<hbm>>
      %dma_wait3A_16 = tpu.memref_squeeze %dma_wait3A_15 : memref<1x64x128xf32, #tpu.memory_space<hbm>> -> memref<64x128xf32, #tpu.memory_space<hbm>>
      %dma_wait3A_17 = arith.constant 0 : i32
      %dma_wait3A_18 = arith.constant 0 : i32
      %dma_wait3A_19 = tpu.memref_slice %arg4[%add3A, %dma_wait3A_17, %dma_wait3A_18] : memref<32x64x128xf32, #tpu.memory_space<hbm>> -> memref<1x64x128xf32, #tpu.memory_space<hbm>>
      %dma_wait3A_20 = tpu.memref_squeeze %dma_wait3A_19 : memref<1x64x128xf32, #tpu.memory_space<hbm>> -> memref<64x128xf32, #tpu.memory_space<hbm>>
      tpu.wait_dma2 semaphore(%run_scoped3A : memref<!tpu.dma_semaphore, #tpu.memory_space<semaphore_mem>>) src(%arg6 : memref<64x128xf32, #tpu.memory_space<vmem>>) dst(%dma_wait3A_20 : memref<64x128xf32, #tpu.memory_space<hbm>>)
      tpu.yield
    }) : () -> ()
    return
  }
}

#map = affine_map<(d0, d1) -> (0, 0)>
#map1 = affine_map<(d0, d1) -> (0, 0, 0)>
module attributes {stable_mosaic.version = 14 : i64} {
  func.func @k(%arg0: i32, %arg1: i32, %arg2: memref<32x256xi32, #tpu.memory_space<hbm>>, %arg3: memref<200000x128xf32, #tpu.memory_space<hbm>>, %arg4: memref<32x256x128xf32, #tpu.memory_space<hbm>>, %arg5: memref<128xi32, #tpu.memory_space<vmem>>, %arg6: memref<128xi32, #tpu.memory_space<vmem>>, %arg7: memref<128x128xf32, #tpu.memory_space<vmem>>, %arg8: memref<128x128xf32, #tpu.memory_space<vmem>>, %arg9: memref<!tpu.dma_semaphore, #tpu.memory_space<semaphore_mem>>, %arg10: memref<!tpu.dma_semaphore, #tpu.memory_space<semaphore_mem>>) attributes {dimension_semantics = [#tpu.dimension_semantics<core_parallel>, #tpu.dimension_semantics<subcore_parallel>], iteration_bounds = array<i64: 2, 16>, scalar_prefetch = 0 : i64, scratch_operands = 6 : i64, tpu.core_type = #tpu.core_type<sc_vector_subcore>, window_params = [{transform_indices = #map}, {transform_indices = #map}, {transform_indices = #map1}]} {
    %mul3A = arith.constant 2 : i32
    %mul3A_0 = arith.muli %arg1, %mul3A : i32
    %add3A = arith.addi %mul3A_0, %arg0 : i32
    "tpu.region"() ({
      %run_scoped3A = tpu.sem_alloc : memref<!tpu.dma_semaphore, #tpu.memory_space<semaphore_mem>>
      %dma_start3A_11 = arith.constant 0 : i32
      %dma_start3A_12 = tpu.memref_slice %arg2[%add3A, %dma_start3A_11] : memref<32x256xi32, #tpu.memory_space<hbm>> -> memref<1x128xi32, #tpu.memory_space<hbm>>
      %dma_start3A_13 = tpu.memref_squeeze %dma_start3A_12 : memref<1x128xi32, #tpu.memory_space<hbm>> -> memref<128xi32, #tpu.memory_space<hbm>>
      %dma_start3A_14 = arith.constant 0 : i32
      %dma_start3A_15 = tpu.memref_slice %arg2[%add3A, %dma_start3A_14] : memref<32x256xi32, #tpu.memory_space<hbm>> -> memref<1x128xi32, #tpu.memory_space<hbm>>
      %dma_start3A_16 = tpu.memref_squeeze %dma_start3A_15 : memref<1x128xi32, #tpu.memory_space<hbm>> -> memref<128xi32, #tpu.memory_space<hbm>>
      tpu.enqueue_dma source(%dma_start3A_16 : memref<128xi32, #tpu.memory_space<hbm>>) target(%arg5 : memref<128xi32, #tpu.memory_space<vmem>>) target_semaphore(%run_scoped3A : memref<!tpu.dma_semaphore, #tpu.memory_space<semaphore_mem>>)
      %dma_wait3A_17 = arith.constant 0 : i32
      %dma_wait3A_18 = tpu.memref_slice %arg2[%add3A, %dma_wait3A_17] : memref<32x256xi32, #tpu.memory_space<hbm>> -> memref<1x128xi32, #tpu.memory_space<hbm>>
      %dma_wait3A_19 = tpu.memref_squeeze %dma_wait3A_18 : memref<1x128xi32, #tpu.memory_space<hbm>> -> memref<128xi32, #tpu.memory_space<hbm>>
      %dma_wait3A_20 = arith.constant 0 : i32
      %dma_wait3A_21 = tpu.memref_slice %arg2[%add3A, %dma_wait3A_20] : memref<32x256xi32, #tpu.memory_space<hbm>> -> memref<1x128xi32, #tpu.memory_space<hbm>>
      %dma_wait3A_22 = tpu.memref_squeeze %dma_wait3A_21 : memref<1x128xi32, #tpu.memory_space<hbm>> -> memref<128xi32, #tpu.memory_space<hbm>>
      tpu.wait_dma2 semaphore(%run_scoped3A : memref<!tpu.dma_semaphore, #tpu.memory_space<semaphore_mem>>) src(%dma_wait3A_22 : memref<128xi32, #tpu.memory_space<hbm>>) dst(%arg5 : memref<128xi32, #tpu.memory_space<vmem>>)
      tpu.yield
    }) : () -> ()
    "tpu.region"() ({
      %run_scoped3A = tpu.sem_alloc : memref<!tpu.dma_semaphore, #tpu.memory_space<semaphore_mem>>
      %dma_start3A_11 = arith.constant 128 : i32
      %dma_start3A_12 = tpu.memref_slice %arg2[%add3A, %dma_start3A_11] : memref<32x256xi32, #tpu.memory_space<hbm>> -> memref<1x128xi32, #tpu.memory_space<hbm>>
      %dma_start3A_13 = tpu.memref_squeeze %dma_start3A_12 : memref<1x128xi32, #tpu.memory_space<hbm>> -> memref<128xi32, #tpu.memory_space<hbm>>
      %dma_start3A_14 = arith.constant 128 : i32
      %dma_start3A_15 = tpu.memref_slice %arg2[%add3A, %dma_start3A_14] : memref<32x256xi32, #tpu.memory_space<hbm>> -> memref<1x128xi32, #tpu.memory_space<hbm>>
      %dma_start3A_16 = tpu.memref_squeeze %dma_start3A_15 : memref<1x128xi32, #tpu.memory_space<hbm>> -> memref<128xi32, #tpu.memory_space<hbm>>
      tpu.enqueue_dma source(%dma_start3A_16 : memref<128xi32, #tpu.memory_space<hbm>>) target(%arg6 : memref<128xi32, #tpu.memory_space<vmem>>) target_semaphore(%run_scoped3A : memref<!tpu.dma_semaphore, #tpu.memory_space<semaphore_mem>>)
      %dma_wait3A_17 = arith.constant 128 : i32
      %dma_wait3A_18 = tpu.memref_slice %arg2[%add3A, %dma_wait3A_17] : memref<32x256xi32, #tpu.memory_space<hbm>> -> memref<1x128xi32, #tpu.memory_space<hbm>>
      %dma_wait3A_19 = tpu.memref_squeeze %dma_wait3A_18 : memref<1x128xi32, #tpu.memory_space<hbm>> -> memref<128xi32, #tpu.memory_space<hbm>>
      %dma_wait3A_20 = arith.constant 128 : i32
      %dma_wait3A_21 = tpu.memref_slice %arg2[%add3A, %dma_wait3A_20] : memref<32x256xi32, #tpu.memory_space<hbm>> -> memref<1x128xi32, #tpu.memory_space<hbm>>
      %dma_wait3A_22 = tpu.memref_squeeze %dma_wait3A_21 : memref<1x128xi32, #tpu.memory_space<hbm>> -> memref<128xi32, #tpu.memory_space<hbm>>
      tpu.wait_dma2 semaphore(%run_scoped3A : memref<!tpu.dma_semaphore, #tpu.memory_space<semaphore_mem>>) src(%dma_wait3A_22 : memref<128xi32, #tpu.memory_space<hbm>>) dst(%arg6 : memref<128xi32, #tpu.memory_space<vmem>>)
      tpu.yield
    }) : () -> ()
    %dma_start3A = arith.constant 0 : i32
    %dma_start3A_1 = arith.constant 0 : i32
    %dma_start3A_2 = tpu.memref_slice %arg3[%dma_start3A, %dma_start3A_1] : memref<200000x128xf32, #tpu.memory_space<hbm>> -> memref<200000x128xf32, #tpu.memory_space<hbm>>
    tpu.enqueue_indirect_dma source(%dma_start3A_2 : memref<200000x128xf32, #tpu.memory_space<hbm>>) target(%arg7 : memref<128x128xf32, #tpu.memory_space<vmem>>) offsets(%arg5 : memref<128xi32, #tpu.memory_space<vmem>>) semaphore(%arg9 : memref<!tpu.dma_semaphore, #tpu.memory_space<semaphore_mem>>)
    %dma_start3A_3 = arith.constant 0 : i32
    %dma_start3A_4 = arith.constant 0 : i32
    %dma_start3A_5 = tpu.memref_slice %arg3[%dma_start3A_3, %dma_start3A_4] : memref<200000x128xf32, #tpu.memory_space<hbm>> -> memref<200000x128xf32, #tpu.memory_space<hbm>>
    tpu.enqueue_indirect_dma source(%dma_start3A_5 : memref<200000x128xf32, #tpu.memory_space<hbm>>) target(%arg8 : memref<128x128xf32, #tpu.memory_space<vmem>>) offsets(%arg6 : memref<128xi32, #tpu.memory_space<vmem>>) semaphore(%arg10 : memref<!tpu.dma_semaphore, #tpu.memory_space<semaphore_mem>>)
    %dma_wait3A = arith.constant 0 : i32
    %dma_wait3A_6 = arith.constant 0 : i32
    %dma_wait3A_7 = tpu.memref_slice %arg3[%dma_wait3A, %dma_wait3A_6] : memref<200000x128xf32, #tpu.memory_space<hbm>> -> memref<200000x128xf32, #tpu.memory_space<hbm>>
    tpu.wait_indirect_dma semaphore(%arg9 : memref<!tpu.dma_semaphore, #tpu.memory_space<semaphore_mem>>) src(%dma_wait3A_7 : memref<200000x128xf32, #tpu.memory_space<hbm>>) dst(%arg7 : memref<128x128xf32, #tpu.memory_space<vmem>>)
    "tpu.region"() ({
      %run_scoped3A = tpu.sem_alloc : memref<!tpu.dma_semaphore, #tpu.memory_space<semaphore_mem>>
      %dma_start3A_11 = arith.constant 0 : i32
      %dma_start3A_12 = arith.constant 0 : i32
      %dma_start3A_13 = tpu.memref_slice %arg4[%add3A, %dma_start3A_11, %dma_start3A_12] : memref<32x256x128xf32, #tpu.memory_space<hbm>> -> memref<1x128x128xf32, #tpu.memory_space<hbm>>
      %dma_start3A_14 = tpu.memref_squeeze %dma_start3A_13 : memref<1x128x128xf32, #tpu.memory_space<hbm>> -> memref<128x128xf32, #tpu.memory_space<hbm>>
      %dma_start3A_15 = arith.constant 0 : i32
      %dma_start3A_16 = arith.constant 0 : i32
      %dma_start3A_17 = tpu.memref_slice %arg4[%add3A, %dma_start3A_15, %dma_start3A_16] : memref<32x256x128xf32, #tpu.memory_space<hbm>> -> memref<1x128x128xf32, #tpu.memory_space<hbm>>
      %dma_start3A_18 = tpu.memref_squeeze %dma_start3A_17 : memref<1x128x128xf32, #tpu.memory_space<hbm>> -> memref<128x128xf32, #tpu.memory_space<hbm>>
      tpu.enqueue_dma source(%arg7 : memref<128x128xf32, #tpu.memory_space<vmem>>) target(%dma_start3A_18 : memref<128x128xf32, #tpu.memory_space<hbm>>) target_semaphore(%run_scoped3A : memref<!tpu.dma_semaphore, #tpu.memory_space<semaphore_mem>>)
      %dma_wait3A_19 = arith.constant 0 : i32
      %dma_wait3A_20 = arith.constant 0 : i32
      %dma_wait3A_21 = tpu.memref_slice %arg4[%add3A, %dma_wait3A_19, %dma_wait3A_20] : memref<32x256x128xf32, #tpu.memory_space<hbm>> -> memref<1x128x128xf32, #tpu.memory_space<hbm>>
      %dma_wait3A_22 = tpu.memref_squeeze %dma_wait3A_21 : memref<1x128x128xf32, #tpu.memory_space<hbm>> -> memref<128x128xf32, #tpu.memory_space<hbm>>
      %dma_wait3A_23 = arith.constant 0 : i32
      %dma_wait3A_24 = arith.constant 0 : i32
      %dma_wait3A_25 = tpu.memref_slice %arg4[%add3A, %dma_wait3A_23, %dma_wait3A_24] : memref<32x256x128xf32, #tpu.memory_space<hbm>> -> memref<1x128x128xf32, #tpu.memory_space<hbm>>
      %dma_wait3A_26 = tpu.memref_squeeze %dma_wait3A_25 : memref<1x128x128xf32, #tpu.memory_space<hbm>> -> memref<128x128xf32, #tpu.memory_space<hbm>>
      tpu.wait_dma2 semaphore(%run_scoped3A : memref<!tpu.dma_semaphore, #tpu.memory_space<semaphore_mem>>) src(%arg7 : memref<128x128xf32, #tpu.memory_space<vmem>>) dst(%dma_wait3A_26 : memref<128x128xf32, #tpu.memory_space<hbm>>)
      tpu.yield
    }) : () -> ()
    %dma_wait3A_8 = arith.constant 0 : i32
    %dma_wait3A_9 = arith.constant 0 : i32
    %dma_wait3A_10 = tpu.memref_slice %arg3[%dma_wait3A_8, %dma_wait3A_9] : memref<200000x128xf32, #tpu.memory_space<hbm>> -> memref<200000x128xf32, #tpu.memory_space<hbm>>
    tpu.wait_indirect_dma semaphore(%arg10 : memref<!tpu.dma_semaphore, #tpu.memory_space<semaphore_mem>>) src(%dma_wait3A_10 : memref<200000x128xf32, #tpu.memory_space<hbm>>) dst(%arg8 : memref<128x128xf32, #tpu.memory_space<vmem>>)
    "tpu.region"() ({
      %run_scoped3A = tpu.sem_alloc : memref<!tpu.dma_semaphore, #tpu.memory_space<semaphore_mem>>
      %dma_start3A_11 = arith.constant 128 : i32
      %dma_start3A_12 = arith.constant 0 : i32
      %dma_start3A_13 = tpu.memref_slice %arg4[%add3A, %dma_start3A_11, %dma_start3A_12] : memref<32x256x128xf32, #tpu.memory_space<hbm>> -> memref<1x128x128xf32, #tpu.memory_space<hbm>>
      %dma_start3A_14 = tpu.memref_squeeze %dma_start3A_13 : memref<1x128x128xf32, #tpu.memory_space<hbm>> -> memref<128x128xf32, #tpu.memory_space<hbm>>
      %dma_start3A_15 = arith.constant 128 : i32
      %dma_start3A_16 = arith.constant 0 : i32
      %dma_start3A_17 = tpu.memref_slice %arg4[%add3A, %dma_start3A_15, %dma_start3A_16] : memref<32x256x128xf32, #tpu.memory_space<hbm>> -> memref<1x128x128xf32, #tpu.memory_space<hbm>>
      %dma_start3A_18 = tpu.memref_squeeze %dma_start3A_17 : memref<1x128x128xf32, #tpu.memory_space<hbm>> -> memref<128x128xf32, #tpu.memory_space<hbm>>
      tpu.enqueue_dma source(%arg8 : memref<128x128xf32, #tpu.memory_space<vmem>>) target(%dma_start3A_18 : memref<128x128xf32, #tpu.memory_space<hbm>>) target_semaphore(%run_scoped3A : memref<!tpu.dma_semaphore, #tpu.memory_space<semaphore_mem>>)
      %dma_wait3A_19 = arith.constant 128 : i32
      %dma_wait3A_20 = arith.constant 0 : i32
      %dma_wait3A_21 = tpu.memref_slice %arg4[%add3A, %dma_wait3A_19, %dma_wait3A_20] : memref<32x256x128xf32, #tpu.memory_space<hbm>> -> memref<1x128x128xf32, #tpu.memory_space<hbm>>
      %dma_wait3A_22 = tpu.memref_squeeze %dma_wait3A_21 : memref<1x128x128xf32, #tpu.memory_space<hbm>> -> memref<128x128xf32, #tpu.memory_space<hbm>>
      %dma_wait3A_23 = arith.constant 128 : i32
      %dma_wait3A_24 = arith.constant 0 : i32
      %dma_wait3A_25 = tpu.memref_slice %arg4[%add3A, %dma_wait3A_23, %dma_wait3A_24] : memref<32x256x128xf32, #tpu.memory_space<hbm>> -> memref<1x128x128xf32, #tpu.memory_space<hbm>>
      %dma_wait3A_26 = tpu.memref_squeeze %dma_wait3A_25 : memref<1x128x128xf32, #tpu.memory_space<hbm>> -> memref<128x128xf32, #tpu.memory_space<hbm>>
      tpu.wait_dma2 semaphore(%run_scoped3A : memref<!tpu.dma_semaphore, #tpu.memory_space<semaphore_mem>>) src(%arg8 : memref<128x128xf32, #tpu.memory_space<vmem>>) dst(%dma_wait3A_26 : memref<128x128xf32, #tpu.memory_space<hbm>>)
      tpu.yield
    }) : () -> ()
    return
  }
}

module attributes {stable_mosaic.version = 14 : i64} {
  func.func @_tc2_body(%arg0: i32, %arg1: memref<1xi32, #tpu.memory_space<smem>>, %arg2: memref<16x1xi32, #tpu.memory_space<vmem>>, %arg3: memref<2048x128xf32, #tpu.memory_space<vmem>>, %arg4: memref<2048x1xf32, #tpu.memory_space<vmem>>, %arg5: memref<16x256x128xf32, #tpu.memory_space<vmem>>, %arg6: memref<16x256xi32, #tpu.memory_space<vmem>>, %arg7: memref<16x256xi32, #tpu.memory_space<vmem>>, %arg8: memref<16x256xf32, #tpu.memory_space<vmem>>) attributes {dimension_semantics = [#tpu.dimension_semantics<arbitrary>], iteration_bounds = array<i64: 2>, scalar_prefetch = 0 : i64, scratch_operands = 0 : i64, tpu.core_type = #tpu.core_type<tc>, window_params = [{transform_indices = @transform_0, window_bounds = array<i64: 1>}, {transform_indices = @transform_1, window_bounds = array<i64: 16, 1>}, {transform_indices = @transform_2, window_bounds = array<i64: 2048, 128>}, {transform_indices = @transform_3, window_bounds = array<i64: 2048, 1>}, {transform_indices = @transform_4, window_bounds = array<i64: 16, 256, 128>}, {transform_indices = @transform_5, window_bounds = array<i64: 16, 256>}, {transform_indices = @transform_6, window_bounds = array<i64: 16, 256>}, {transform_indices = @transform_7, window_bounds = array<i64: 16, 256>}]} {
    %get3A = arith.constant 0 : index
    %get3A_0 = memref.load %arg1[%get3A] : memref<1xi32, #tpu.memory_space<smem>>
    %iota3A = tpu.iota {dimensions = array<i32: 1>} : vector<1x256xi32>
    %iota3A_1 = tpu.iota {dimensions = array<i32: 0>} : vector<128x256xi32>
    %get3A_2 = arith.constant 0 : index
    %get3A_3 = arith.constant 0 : index
    %get3A_4 = vector.load %arg3[%get3A_2, %get3A_3] : memref<2048x128xf32, #tpu.memory_space<vmem>>, vector<2048x128xf32>
    %get3A_5 = arith.constant 0 : index
    %get3A_6 = arith.constant 0 : index
    %get3A_7 = vector.load %arg4[%get3A_5, %get3A_6] : memref<2048x1xf32, #tpu.memory_space<vmem>>, vector<2048x1xf32>
    %get3A_8 = arith.constant 0 : index
    %get3A_9 = arith.constant 0 : index
    %get3A_10 = vector.load %arg6[%get3A_8, %get3A_9] : memref<16x256xi32, #tpu.memory_space<vmem>>, vector<16x256xi32>
    %slice3A = vector.extract_strided_slice %get3A_4 {offsets = [0, 0], sizes = [128, 128], strides = [1, 1]} : vector<2048x128xf32> to vector<128x128xf32>
    %get3A_11 = arith.constant 0 : index
    %get3A_12 = arith.constant 0 : index
    %get3A_13 = arith.constant 0 : index
    %get3A_14 = vector.load %arg5[%get3A_11, %get3A_12, %get3A_13] : memref<16x256x128xf32, #tpu.memory_space<vmem>>, vector<1x256x128xf32>
    %get3A_15 = vector.shape_cast %get3A_14 : vector<1x256x128xf32> to vector<256x128xf32>
    %dot_general3A = arith.constant dense<0.000000e+00> : vector<128x256xf32>
    %dot_general3A_16 = tpu.matmul %slice3A, %get3A_15, %dot_general3A {dimension_numbers = #tpu.dot_dimension_numbers<[1], [1], [0], [0], [0, 0, 1, 0], [], []>, transpose_lhs_hint = false} : vector<128x128xf32>, vector<256x128xf32>, vector<128x256xf32> -> vector<128x256xf32>
    %slice3A_17 = vector.extract_strided_slice %get3A_10 {offsets = [0, 0], sizes = [1, 256], strides = [1, 1]} : vector<16x256xi32> to vector<1x256xi32>
    %eq3A = vector.broadcast %slice3A_17 : vector<1x256xi32> to vector<128x256xi32>
    %eq3A_18 = arith.cmpi eq, %eq3A, %iota3A_1 : vector<128x256xi32>
    %convert_element_type3A = arith.extui %eq3A_18 : vector<128x256xi1> to vector<128x256xi32>
    %convert_element_type3A_19 = arith.sitofp %convert_element_type3A : vector<128x256xi32> to vector<128x256xf32>
    %slice3A_20 = vector.extract_strided_slice %get3A_7 {offsets = [0, 0], sizes = [128, 1], strides = [1, 1]} : vector<2048x1xf32> to vector<128x1xf32>
    %add3A = vector.broadcast %slice3A_20 : vector<128x1xf32> to vector<128x256xf32>
    %add3A_21 = arith.addf %dot_general3A_16, %add3A : vector<128x256xf32>
    %mul3A = arith.mulf %convert_element_type3A_19, %add3A_21 : vector<128x256xf32>
    %slice3A_22 = vector.extract_strided_slice %get3A_4 {offsets = [128, 0], sizes = [128, 128], strides = [1, 1]} : vector<2048x128xf32> to vector<128x128xf32>
    %get3A_23 = arith.constant 1 : index
    %get3A_24 = arith.constant 0 : index
    %get3A_25 = arith.constant 0 : index
    %get3A_26 = vector.load %arg5[%get3A_23, %get3A_24, %get3A_25] : memref<16x256x128xf32, #tpu.memory_space<vmem>>, vector<1x256x128xf32>
    %get3A_27 = vector.shape_cast %get3A_26 : vector<1x256x128xf32> to vector<256x128xf32>
    %dot_general3A_28 = arith.constant dense<0.000000e+00> : vector<128x256xf32>
    %dot_general3A_29 = tpu.matmul %slice3A_22, %get3A_27, %dot_general3A_28 {dimension_numbers = #tpu.dot_dimension_numbers<[1], [1], [0], [0], [0, 0, 1, 0], [], []>, transpose_lhs_hint = false} : vector<128x128xf32>, vector<256x128xf32>, vector<128x256xf32> -> vector<128x256xf32>
    %slice3A_30 = vector.extract_strided_slice %get3A_10 {offsets = [1, 0], sizes = [1, 256], strides = [1, 1]} : vector<16x256xi32> to vector<1x256xi32>
    %eq3A_31 = vector.broadcast %slice3A_30 : vector<1x256xi32> to vector<128x256xi32>
    %eq3A_32 = arith.cmpi eq, %eq3A_31, %iota3A_1 : vector<128x256xi32>
    %convert_element_type3A_33 = arith.extui %eq3A_32 : vector<128x256xi1> to vector<128x256xi32>
    %convert_element_type3A_34 = arith.sitofp %convert_element_type3A_33 : vector<128x256xi32> to vector<128x256xf32>
    %slice3A_35 = vector.extract_strided_slice %get3A_7 {offsets = [128, 0], sizes = [128, 1], strides = [1, 1]} : vector<2048x1xf32> to vector<128x1xf32>
    %add3A_36 = vector.broadcast %slice3A_35 : vector<128x1xf32> to vector<128x256xf32>
    %add3A_37 = arith.addf %dot_general3A_29, %add3A_36 : vector<128x256xf32>
    %mul3A_38 = arith.mulf %convert_element_type3A_34, %add3A_37 : vector<128x256xf32>
    %slice3A_39 = vector.extract_strided_slice %get3A_4 {offsets = [256, 0], sizes = [128, 128], strides = [1, 1]} : vector<2048x128xf32> to vector<128x128xf32>
    %get3A_40 = arith.constant 2 : index
    %get3A_41 = arith.constant 0 : index
    %get3A_42 = arith.constant 0 : index
    %get3A_43 = vector.load %arg5[%get3A_40, %get3A_41, %get3A_42] : memref<16x256x128xf32, #tpu.memory_space<vmem>>, vector<1x256x128xf32>
    %get3A_44 = vector.shape_cast %get3A_43 : vector<1x256x128xf32> to vector<256x128xf32>
    %dot_general3A_45 = arith.constant dense<0.000000e+00> : vector<128x256xf32>
    %dot_general3A_46 = tpu.matmul %slice3A_39, %get3A_44, %dot_general3A_45 {dimension_numbers = #tpu.dot_dimension_numbers<[1], [1], [0], [0], [0, 0, 1, 0], [], []>, transpose_lhs_hint = false} : vector<128x128xf32>, vector<256x128xf32>, vector<128x256xf32> -> vector<128x256xf32>
    %slice3A_47 = vector.extract_strided_slice %get3A_10 {offsets = [2, 0], sizes = [1, 256], strides = [1, 1]} : vector<16x256xi32> to vector<1x256xi32>
    %eq3A_48 = vector.broadcast %slice3A_47 : vector<1x256xi32> to vector<128x256xi32>
    %eq3A_49 = arith.cmpi eq, %eq3A_48, %iota3A_1 : vector<128x256xi32>
    %convert_element_type3A_50 = arith.extui %eq3A_49 : vector<128x256xi1> to vector<128x256xi32>
    %convert_element_type3A_51 = arith.sitofp %convert_element_type3A_50 : vector<128x256xi32> to vector<128x256xf32>
    %slice3A_52 = vector.extract_strided_slice %get3A_7 {offsets = [256, 0], sizes = [128, 1], strides = [1, 1]} : vector<2048x1xf32> to vector<128x1xf32>
    %add3A_53 = vector.broadcast %slice3A_52 : vector<128x1xf32> to vector<128x256xf32>
    %add3A_54 = arith.addf %dot_general3A_46, %add3A_53 : vector<128x256xf32>
    %mul3A_55 = arith.mulf %convert_element_type3A_51, %add3A_54 : vector<128x256xf32>
    %slice3A_56 = vector.extract_strided_slice %get3A_4 {offsets = [384, 0], sizes = [128, 128], strides = [1, 1]} : vector<2048x128xf32> to vector<128x128xf32>
    %get3A_57 = arith.constant 3 : index
    %get3A_58 = arith.constant 0 : index
    %get3A_59 = arith.constant 0 : index
    %get3A_60 = vector.load %arg5[%get3A_57, %get3A_58, %get3A_59] : memref<16x256x128xf32, #tpu.memory_space<vmem>>, vector<1x256x128xf32>
    %get3A_61 = vector.shape_cast %get3A_60 : vector<1x256x128xf32> to vector<256x128xf32>
    %dot_general3A_62 = arith.constant dense<0.000000e+00> : vector<128x256xf32>
    %dot_general3A_63 = tpu.matmul %slice3A_56, %get3A_61, %dot_general3A_62 {dimension_numbers = #tpu.dot_dimension_numbers<[1], [1], [0], [0], [0, 0, 1, 0], [], []>, transpose_lhs_hint = false} : vector<128x128xf32>, vector<256x128xf32>, vector<128x256xf32> -> vector<128x256xf32>
    %slice3A_64 = vector.extract_strided_slice %get3A_10 {offsets = [3, 0], sizes = [1, 256], strides = [1, 1]} : vector<16x256xi32> to vector<1x256xi32>
    %eq3A_65 = vector.broadcast %slice3A_64 : vector<1x256xi32> to vector<128x256xi32>
    %eq3A_66 = arith.cmpi eq, %eq3A_65, %iota3A_1 : vector<128x256xi32>
    %convert_element_type3A_67 = arith.extui %eq3A_66 : vector<128x256xi1> to vector<128x256xi32>
    %convert_element_type3A_68 = arith.sitofp %convert_element_type3A_67 : vector<128x256xi32> to vector<128x256xf32>
    %slice3A_69 = vector.extract_strided_slice %get3A_7 {offsets = [384, 0], sizes = [128, 1], strides = [1, 1]} : vector<2048x1xf32> to vector<128x1xf32>
    %add3A_70 = vector.broadcast %slice3A_69 : vector<128x1xf32> to vector<128x256xf32>
    %add3A_71 = arith.addf %dot_general3A_63, %add3A_70 : vector<128x256xf32>
    %mul3A_72 = arith.mulf %convert_element_type3A_68, %add3A_71 : vector<128x256xf32>
    %slice3A_73 = vector.extract_strided_slice %get3A_4 {offsets = [512, 0], sizes = [128, 128], strides = [1, 1]} : vector<2048x128xf32> to vector<128x128xf32>
    %get3A_74 = arith.constant 4 : index
    %get3A_75 = arith.constant 0 : index
    %get3A_76 = arith.constant 0 : index
    %get3A_77 = vector.load %arg5[%get3A_74, %get3A_75, %get3A_76] : memref<16x256x128xf32, #tpu.memory_space<vmem>>, vector<1x256x128xf32>
    %get3A_78 = vector.shape_cast %get3A_77 : vector<1x256x128xf32> to vector<256x128xf32>
    %dot_general3A_79 = arith.constant dense<0.000000e+00> : vector<128x256xf32>
    %dot_general3A_80 = tpu.matmul %slice3A_73, %get3A_78, %dot_general3A_79 {dimension_numbers = #tpu.dot_dimension_numbers<[1], [1], [0], [0], [0, 0, 1, 0], [], []>, transpose_lhs_hint = false} : vector<128x128xf32>, vector<256x128xf32>, vector<128x256xf32> -> vector<128x256xf32>
    %slice3A_81 = vector.extract_strided_slice %get3A_10 {offsets = [4, 0], sizes = [1, 256], strides = [1, 1]} : vector<16x256xi32> to vector<1x256xi32>
    %eq3A_82 = vector.broadcast %slice3A_81 : vector<1x256xi32> to vector<128x256xi32>
    %eq3A_83 = arith.cmpi eq, %eq3A_82, %iota3A_1 : vector<128x256xi32>
    %convert_element_type3A_84 = arith.extui %eq3A_83 : vector<128x256xi1> to vector<128x256xi32>
    %convert_element_type3A_85 = arith.sitofp %convert_element_type3A_84 : vector<128x256xi32> to vector<128x256xf32>
    %slice3A_86 = vector.extract_strided_slice %get3A_7 {offsets = [512, 0], sizes = [128, 1], strides = [1, 1]} : vector<2048x1xf32> to vector<128x1xf32>
    %add3A_87 = vector.broadcast %slice3A_86 : vector<128x1xf32> to vector<128x256xf32>
    %add3A_88 = arith.addf %dot_general3A_80, %add3A_87 : vector<128x256xf32>
    %mul3A_89 = arith.mulf %convert_element_type3A_85, %add3A_88 : vector<128x256xf32>
    %slice3A_90 = vector.extract_strided_slice %get3A_4 {offsets = [640, 0], sizes = [128, 128], strides = [1, 1]} : vector<2048x128xf32> to vector<128x128xf32>
    %get3A_91 = arith.constant 5 : index
    %get3A_92 = arith.constant 0 : index
    %get3A_93 = arith.constant 0 : index
    %get3A_94 = vector.load %arg5[%get3A_91, %get3A_92, %get3A_93] : memref<16x256x128xf32, #tpu.memory_space<vmem>>, vector<1x256x128xf32>
    %get3A_95 = vector.shape_cast %get3A_94 : vector<1x256x128xf32> to vector<256x128xf32>
    %dot_general3A_96 = arith.constant dense<0.000000e+00> : vector<128x256xf32>
    %dot_general3A_97 = tpu.matmul %slice3A_90, %get3A_95, %dot_general3A_96 {dimension_numbers = #tpu.dot_dimension_numbers<[1], [1], [0], [0], [0, 0, 1, 0], [], []>, transpose_lhs_hint = false} : vector<128x128xf32>, vector<256x128xf32>, vector<128x256xf32> -> vector<128x256xf32>
    %slice3A_98 = vector.extract_strided_slice %get3A_10 {offsets = [5, 0], sizes = [1, 256], strides = [1, 1]} : vector<16x256xi32> to vector<1x256xi32>
    %eq3A_99 = vector.broadcast %slice3A_98 : vector<1x256xi32> to vector<128x256xi32>
    %eq3A_100 = arith.cmpi eq, %eq3A_99, %iota3A_1 : vector<128x256xi32>
    %convert_element_type3A_101 = arith.extui %eq3A_100 : vector<128x256xi1> to vector<128x256xi32>
    %convert_element_type3A_102 = arith.sitofp %convert_element_type3A_101 : vector<128x256xi32> to vector<128x256xf32>
    %slice3A_103 = vector.extract_strided_slice %get3A_7 {offsets = [640, 0], sizes = [128, 1], strides = [1, 1]} : vector<2048x1xf32> to vector<128x1xf32>
    %add3A_104 = vector.broadcast %slice3A_103 : vector<128x1xf32> to vector<128x256xf32>
    %add3A_105 = arith.addf %dot_general3A_97, %add3A_104 : vector<128x256xf32>
    %mul3A_106 = arith.mulf %convert_element_type3A_102, %add3A_105 : vector<128x256xf32>
    %slice3A_107 = vector.extract_strided_slice %get3A_4 {offsets = [768, 0], sizes = [128, 128], strides = [1, 1]} : vector<2048x128xf32> to vector<128x128xf32>
    %get3A_108 = arith.constant 6 : index
    %get3A_109 = arith.constant 0 : index
    %get3A_110 = arith.constant 0 : index
    %get3A_111 = vector.load %arg5[%get3A_108, %get3A_109, %get3A_110] : memref<16x256x128xf32, #tpu.memory_space<vmem>>, vector<1x256x128xf32>
    %get3A_112 = vector.shape_cast %get3A_111 : vector<1x256x128xf32> to vector<256x128xf32>
    %dot_general3A_113 = arith.constant dense<0.000000e+00> : vector<128x256xf32>
    %dot_general3A_114 = tpu.matmul %slice3A_107, %get3A_112, %dot_general3A_113 {dimension_numbers = #tpu.dot_dimension_numbers<[1], [1], [0], [0], [0, 0, 1, 0], [], []>, transpose_lhs_hint = false} : vector<128x128xf32>, vector<256x128xf32>, vector<128x256xf32> -> vector<128x256xf32>
    %slice3A_115 = vector.extract_strided_slice %get3A_10 {offsets = [6, 0], sizes = [1, 256], strides = [1, 1]} : vector<16x256xi32> to vector<1x256xi32>
    %eq3A_116 = vector.broadcast %slice3A_115 : vector<1x256xi32> to vector<128x256xi32>
    %eq3A_117 = arith.cmpi eq, %eq3A_116, %iota3A_1 : vector<128x256xi32>
    %convert_element_type3A_118 = arith.extui %eq3A_117 : vector<128x256xi1> to vector<128x256xi32>
    %convert_element_type3A_119 = arith.sitofp %convert_element_type3A_118 : vector<128x256xi32> to vector<128x256xf32>
    %slice3A_120 = vector.extract_strided_slice %get3A_7 {offsets = [768, 0], sizes = [128, 1], strides = [1, 1]} : vector<2048x1xf32> to vector<128x1xf32>
    %add3A_121 = vector.broadcast %slice3A_120 : vector<128x1xf32> to vector<128x256xf32>
    %add3A_122 = arith.addf %dot_general3A_114, %add3A_121 : vector<128x256xf32>
    %mul3A_123 = arith.mulf %convert_element_type3A_119, %add3A_122 : vector<128x256xf32>
    %slice3A_124 = vector.extract_strided_slice %get3A_4 {offsets = [896, 0], sizes = [128, 128], strides = [1, 1]} : vector<2048x128xf32> to vector<128x128xf32>
    %get3A_125 = arith.constant 7 : index
    %get3A_126 = arith.constant 0 : index
    %get3A_127 = arith.constant 0 : index
    %get3A_128 = vector.load %arg5[%get3A_125, %get3A_126, %get3A_127] : memref<16x256x128xf32, #tpu.memory_space<vmem>>, vector<1x256x128xf32>
    %get3A_129 = vector.shape_cast %get3A_128 : vector<1x256x128xf32> to vector<256x128xf32>
    %dot_general3A_130 = arith.constant dense<0.000000e+00> : vector<128x256xf32>
    %dot_general3A_131 = tpu.matmul %slice3A_124, %get3A_129, %dot_general3A_130 {dimension_numbers = #tpu.dot_dimension_numbers<[1], [1], [0], [0], [0, 0, 1, 0], [], []>, transpose_lhs_hint = false} : vector<128x128xf32>, vector<256x128xf32>, vector<128x256xf32> -> vector<128x256xf32>
    %slice3A_132 = vector.extract_strided_slice %get3A_10 {offsets = [7, 0], sizes = [1, 256], strides = [1, 1]} : vector<16x256xi32> to vector<1x256xi32>
    %eq3A_133 = vector.broadcast %slice3A_132 : vector<1x256xi32> to vector<128x256xi32>
    %eq3A_134 = arith.cmpi eq, %eq3A_133, %iota3A_1 : vector<128x256xi32>
    %convert_element_type3A_135 = arith.extui %eq3A_134 : vector<128x256xi1> to vector<128x256xi32>
    %convert_element_type3A_136 = arith.sitofp %convert_element_type3A_135 : vector<128x256xi32> to vector<128x256xf32>
    %slice3A_137 = vector.extract_strided_slice %get3A_7 {offsets = [896, 0], sizes = [128, 1], strides = [1, 1]} : vector<2048x1xf32> to vector<128x1xf32>
    %add3A_138 = vector.broadcast %slice3A_137 : vector<128x1xf32> to vector<128x256xf32>
    %add3A_139 = arith.addf %dot_general3A_131, %add3A_138 : vector<128x256xf32>
    %mul3A_140 = arith.mulf %convert_element_type3A_136, %add3A_139 : vector<128x256xf32>
    %slice3A_141 = vector.extract_strided_slice %get3A_4 {offsets = [1024, 0], sizes = [128, 128], strides = [1, 1]} : vector<2048x128xf32> to vector<128x128xf32>
    %get3A_142 = arith.constant 8 : index
    %get3A_143 = arith.constant 0 : index
    %get3A_144 = arith.constant 0 : index
    %get3A_145 = vector.load %arg5[%get3A_142, %get3A_143, %get3A_144] : memref<16x256x128xf32, #tpu.memory_space<vmem>>, vector<1x256x128xf32>
    %get3A_146 = vector.shape_cast %get3A_145 : vector<1x256x128xf32> to vector<256x128xf32>
    %dot_general3A_147 = arith.constant dense<0.000000e+00> : vector<128x256xf32>
    %dot_general3A_148 = tpu.matmul %slice3A_141, %get3A_146, %dot_general3A_147 {dimension_numbers = #tpu.dot_dimension_numbers<[1], [1], [0], [0], [0, 0, 1, 0], [], []>, transpose_lhs_hint = false} : vector<128x128xf32>, vector<256x128xf32>, vector<128x256xf32> -> vector<128x256xf32>
    %slice3A_149 = vector.extract_strided_slice %get3A_10 {offsets = [8, 0], sizes = [1, 256], strides = [1, 1]} : vector<16x256xi32> to vector<1x256xi32>
    %eq3A_150 = vector.broadcast %slice3A_149 : vector<1x256xi32> to vector<128x256xi32>
    %eq3A_151 = arith.cmpi eq, %eq3A_150, %iota3A_1 : vector<128x256xi32>
    %convert_element_type3A_152 = arith.extui %eq3A_151 : vector<128x256xi1> to vector<128x256xi32>
    %convert_element_type3A_153 = arith.sitofp %convert_element_type3A_152 : vector<128x256xi32> to vector<128x256xf32>
    %slice3A_154 = vector.extract_strided_slice %get3A_7 {offsets = [1024, 0], sizes = [128, 1], strides = [1, 1]} : vector<2048x1xf32> to vector<128x1xf32>
    %add3A_155 = vector.broadcast %slice3A_154 : vector<128x1xf32> to vector<128x256xf32>
    %add3A_156 = arith.addf %dot_general3A_148, %add3A_155 : vector<128x256xf32>
    %mul3A_157 = arith.mulf %convert_element_type3A_153, %add3A_156 : vector<128x256xf32>
    %slice3A_158 = vector.extract_strided_slice %get3A_4 {offsets = [1152, 0], sizes = [128, 128], strides = [1, 1]} : vector<2048x128xf32> to vector<128x128xf32>
    %get3A_159 = arith.constant 9 : index
    %get3A_160 = arith.constant 0 : index
    %get3A_161 = arith.constant 0 : index
    %get3A_162 = vector.load %arg5[%get3A_159, %get3A_160, %get3A_161] : memref<16x256x128xf32, #tpu.memory_space<vmem>>, vector<1x256x128xf32>
    %get3A_163 = vector.shape_cast %get3A_162 : vector<1x256x128xf32> to vector<256x128xf32>
    %dot_general3A_164 = arith.constant dense<0.000000e+00> : vector<128x256xf32>
    %dot_general3A_165 = tpu.matmul %slice3A_158, %get3A_163, %dot_general3A_164 {dimension_numbers = #tpu.dot_dimension_numbers<[1], [1], [0], [0], [0, 0, 1, 0], [], []>, transpose_lhs_hint = false} : vector<128x128xf32>, vector<256x128xf32>, vector<128x256xf32> -> vector<128x256xf32>
    %slice3A_166 = vector.extract_strided_slice %get3A_10 {offsets = [9, 0], sizes = [1, 256], strides = [1, 1]} : vector<16x256xi32> to vector<1x256xi32>
    %eq3A_167 = vector.broadcast %slice3A_166 : vector<1x256xi32> to vector<128x256xi32>
    %eq3A_168 = arith.cmpi eq, %eq3A_167, %iota3A_1 : vector<128x256xi32>
    %convert_element_type3A_169 = arith.extui %eq3A_168 : vector<128x256xi1> to vector<128x256xi32>
    %convert_element_type3A_170 = arith.sitofp %convert_element_type3A_169 : vector<128x256xi32> to vector<128x256xf32>
    %slice3A_171 = vector.extract_strided_slice %get3A_7 {offsets = [1152, 0], sizes = [128, 1], strides = [1, 1]} : vector<2048x1xf32> to vector<128x1xf32>
    %add3A_172 = vector.broadcast %slice3A_171 : vector<128x1xf32> to vector<128x256xf32>
    %add3A_173 = arith.addf %dot_general3A_165, %add3A_172 : vector<128x256xf32>
    %mul3A_174 = arith.mulf %convert_element_type3A_170, %add3A_173 : vector<128x256xf32>
    %slice3A_175 = vector.extract_strided_slice %get3A_4 {offsets = [1280, 0], sizes = [128, 128], strides = [1, 1]} : vector<2048x128xf32> to vector<128x128xf32>
    %get3A_176 = arith.constant 10 : index
    %get3A_177 = arith.constant 0 : index
    %get3A_178 = arith.constant 0 : index
    %get3A_179 = vector.load %arg5[%get3A_176, %get3A_177, %get3A_178] : memref<16x256x128xf32, #tpu.memory_space<vmem>>, vector<1x256x128xf32>
    %get3A_180 = vector.shape_cast %get3A_179 : vector<1x256x128xf32> to vector<256x128xf32>
    %dot_general3A_181 = arith.constant dense<0.000000e+00> : vector<128x256xf32>
    %dot_general3A_182 = tpu.matmul %slice3A_175, %get3A_180, %dot_general3A_181 {dimension_numbers = #tpu.dot_dimension_numbers<[1], [1], [0], [0], [0, 0, 1, 0], [], []>, transpose_lhs_hint = false} : vector<128x128xf32>, vector<256x128xf32>, vector<128x256xf32> -> vector<128x256xf32>
    %slice3A_183 = vector.extract_strided_slice %get3A_10 {offsets = [10, 0], sizes = [1, 256], strides = [1, 1]} : vector<16x256xi32> to vector<1x256xi32>
    %eq3A_184 = vector.broadcast %slice3A_183 : vector<1x256xi32> to vector<128x256xi32>
    %eq3A_185 = arith.cmpi eq, %eq3A_184, %iota3A_1 : vector<128x256xi32>
    %convert_element_type3A_186 = arith.extui %eq3A_185 : vector<128x256xi1> to vector<128x256xi32>
    %convert_element_type3A_187 = arith.sitofp %convert_element_type3A_186 : vector<128x256xi32> to vector<128x256xf32>
    %slice3A_188 = vector.extract_strided_slice %get3A_7 {offsets = [1280, 0], sizes = [128, 1], strides = [1, 1]} : vector<2048x1xf32> to vector<128x1xf32>
    %add3A_189 = vector.broadcast %slice3A_188 : vector<128x1xf32> to vector<128x256xf32>
    %add3A_190 = arith.addf %dot_general3A_182, %add3A_189 : vector<128x256xf32>
    %mul3A_191 = arith.mulf %convert_element_type3A_187, %add3A_190 : vector<128x256xf32>
    %slice3A_192 = vector.extract_strided_slice %get3A_4 {offsets = [1408, 0], sizes = [128, 128], strides = [1, 1]} : vector<2048x128xf32> to vector<128x128xf32>
    %get3A_193 = arith.constant 11 : index
    %get3A_194 = arith.constant 0 : index
    %get3A_195 = arith.constant 0 : index
    %get3A_196 = vector.load %arg5[%get3A_193, %get3A_194, %get3A_195] : memref<16x256x128xf32, #tpu.memory_space<vmem>>, vector<1x256x128xf32>
    %get3A_197 = vector.shape_cast %get3A_196 : vector<1x256x128xf32> to vector<256x128xf32>
    %dot_general3A_198 = arith.constant dense<0.000000e+00> : vector<128x256xf32>
    %dot_general3A_199 = tpu.matmul %slice3A_192, %get3A_197, %dot_general3A_198 {dimension_numbers = #tpu.dot_dimension_numbers<[1], [1], [0], [0], [0, 0, 1, 0], [], []>, transpose_lhs_hint = false} : vector<128x128xf32>, vector<256x128xf32>, vector<128x256xf32> -> vector<128x256xf32>
    %slice3A_200 = vector.extract_strided_slice %get3A_10 {offsets = [11, 0], sizes = [1, 256], strides = [1, 1]} : vector<16x256xi32> to vector<1x256xi32>
    %eq3A_201 = vector.broadcast %slice3A_200 : vector<1x256xi32> to vector<128x256xi32>
    %eq3A_202 = arith.cmpi eq, %eq3A_201, %iota3A_1 : vector<128x256xi32>
    %convert_element_type3A_203 = arith.extui %eq3A_202 : vector<128x256xi1> to vector<128x256xi32>
    %convert_element_type3A_204 = arith.sitofp %convert_element_type3A_203 : vector<128x256xi32> to vector<128x256xf32>
    %slice3A_205 = vector.extract_strided_slice %get3A_7 {offsets = [1408, 0], sizes = [128, 1], strides = [1, 1]} : vector<2048x1xf32> to vector<128x1xf32>
    %add3A_206 = vector.broadcast %slice3A_205 : vector<128x1xf32> to vector<128x256xf32>
    %add3A_207 = arith.addf %dot_general3A_199, %add3A_206 : vector<128x256xf32>
    %mul3A_208 = arith.mulf %convert_element_type3A_204, %add3A_207 : vector<128x256xf32>
    %slice3A_209 = vector.extract_strided_slice %get3A_4 {offsets = [1536, 0], sizes = [128, 128], strides = [1, 1]} : vector<2048x128xf32> to vector<128x128xf32>
    %get3A_210 = arith.constant 12 : index
    %get3A_211 = arith.constant 0 : index
    %get3A_212 = arith.constant 0 : index
    %get3A_213 = vector.load %arg5[%get3A_210, %get3A_211, %get3A_212] : memref<16x256x128xf32, #tpu.memory_space<vmem>>, vector<1x256x128xf32>
    %get3A_214 = vector.shape_cast %get3A_213 : vector<1x256x128xf32> to vector<256x128xf32>
    %dot_general3A_215 = arith.constant dense<0.000000e+00> : vector<128x256xf32>
    %dot_general3A_216 = tpu.matmul %slice3A_209, %get3A_214, %dot_general3A_215 {dimension_numbers = #tpu.dot_dimension_numbers<[1], [1], [0], [0], [0, 0, 1, 0], [], []>, transpose_lhs_hint = false} : vector<128x128xf32>, vector<256x128xf32>, vector<128x256xf32> -> vector<128x256xf32>
    %slice3A_217 = vector.extract_strided_slice %get3A_10 {offsets = [12, 0], sizes = [1, 256], strides = [1, 1]} : vector<16x256xi32> to vector<1x256xi32>
    %eq3A_218 = vector.broadcast %slice3A_217 : vector<1x256xi32> to vector<128x256xi32>
    %eq3A_219 = arith.cmpi eq, %eq3A_218, %iota3A_1 : vector<128x256xi32>
    %convert_element_type3A_220 = arith.extui %eq3A_219 : vector<128x256xi1> to vector<128x256xi32>
    %convert_element_type3A_221 = arith.sitofp %convert_element_type3A_220 : vector<128x256xi32> to vector<128x256xf32>
    %slice3A_222 = vector.extract_strided_slice %get3A_7 {offsets = [1536, 0], sizes = [128, 1], strides = [1, 1]} : vector<2048x1xf32> to vector<128x1xf32>
    %add3A_223 = vector.broadcast %slice3A_222 : vector<128x1xf32> to vector<128x256xf32>
    %add3A_224 = arith.addf %dot_general3A_216, %add3A_223 : vector<128x256xf32>
    %mul3A_225 = arith.mulf %convert_element_type3A_221, %add3A_224 : vector<128x256xf32>
    %slice3A_226 = vector.extract_strided_slice %get3A_4 {offsets = [1664, 0], sizes = [128, 128], strides = [1, 1]} : vector<2048x128xf32> to vector<128x128xf32>
    %get3A_227 = arith.constant 13 : index
    %get3A_228 = arith.constant 0 : index
    %get3A_229 = arith.constant 0 : index
    %get3A_230 = vector.load %arg5[%get3A_227, %get3A_228, %get3A_229] : memref<16x256x128xf32, #tpu.memory_space<vmem>>, vector<1x256x128xf32>
    %get3A_231 = vector.shape_cast %get3A_230 : vector<1x256x128xf32> to vector<256x128xf32>
    %dot_general3A_232 = arith.constant dense<0.000000e+00> : vector<128x256xf32>
    %dot_general3A_233 = tpu.matmul %slice3A_226, %get3A_231, %dot_general3A_232 {dimension_numbers = #tpu.dot_dimension_numbers<[1], [1], [0], [0], [0, 0, 1, 0], [], []>, transpose_lhs_hint = false} : vector<128x128xf32>, vector<256x128xf32>, vector<128x256xf32> -> vector<128x256xf32>
    %slice3A_234 = vector.extract_strided_slice %get3A_10 {offsets = [13, 0], sizes = [1, 256], strides = [1, 1]} : vector<16x256xi32> to vector<1x256xi32>
    %eq3A_235 = vector.broadcast %slice3A_234 : vector<1x256xi32> to vector<128x256xi32>
    %eq3A_236 = arith.cmpi eq, %eq3A_235, %iota3A_1 : vector<128x256xi32>
    %convert_element_type3A_237 = arith.extui %eq3A_236 : vector<128x256xi1> to vector<128x256xi32>
    %convert_element_type3A_238 = arith.sitofp %convert_element_type3A_237 : vector<128x256xi32> to vector<128x256xf32>
    %slice3A_239 = vector.extract_strided_slice %get3A_7 {offsets = [1664, 0], sizes = [128, 1], strides = [1, 1]} : vector<2048x1xf32> to vector<128x1xf32>
    %add3A_240 = vector.broadcast %slice3A_239 : vector<128x1xf32> to vector<128x256xf32>
    %add3A_241 = arith.addf %dot_general3A_233, %add3A_240 : vector<128x256xf32>
    %mul3A_242 = arith.mulf %convert_element_type3A_238, %add3A_241 : vector<128x256xf32>
    %slice3A_243 = vector.extract_strided_slice %get3A_4 {offsets = [1792, 0], sizes = [128, 128], strides = [1, 1]} : vector<2048x128xf32> to vector<128x128xf32>
    %get3A_244 = arith.constant 14 : index
    %get3A_245 = arith.constant 0 : index
    %get3A_246 = arith.constant 0 : index
    %get3A_247 = vector.load %arg5[%get3A_244, %get3A_245, %get3A_246] : memref<16x256x128xf32, #tpu.memory_space<vmem>>, vector<1x256x128xf32>
    %get3A_248 = vector.shape_cast %get3A_247 : vector<1x256x128xf32> to vector<256x128xf32>
    %dot_general3A_249 = arith.constant dense<0.000000e+00> : vector<128x256xf32>
    %dot_general3A_250 = tpu.matmul %slice3A_243, %get3A_248, %dot_general3A_249 {dimension_numbers = #tpu.dot_dimension_numbers<[1], [1], [0], [0], [0, 0, 1, 0], [], []>, transpose_lhs_hint = false} : vector<128x128xf32>, vector<256x128xf32>, vector<128x256xf32> -> vector<128x256xf32>
    %slice3A_251 = vector.extract_strided_slice %get3A_10 {offsets = [14, 0], sizes = [1, 256], strides = [1, 1]} : vector<16x256xi32> to vector<1x256xi32>
    %eq3A_252 = vector.broadcast %slice3A_251 : vector<1x256xi32> to vector<128x256xi32>
    %eq3A_253 = arith.cmpi eq, %eq3A_252, %iota3A_1 : vector<128x256xi32>
    %convert_element_type3A_254 = arith.extui %eq3A_253 : vector<128x256xi1> to vector<128x256xi32>
    %convert_element_type3A_255 = arith.sitofp %convert_element_type3A_254 : vector<128x256xi32> to vector<128x256xf32>
    %slice3A_256 = vector.extract_strided_slice %get3A_7 {offsets = [1792, 0], sizes = [128, 1], strides = [1, 1]} : vector<2048x1xf32> to vector<128x1xf32>
    %add3A_257 = vector.broadcast %slice3A_256 : vector<128x1xf32> to vector<128x256xf32>
    %add3A_258 = arith.addf %dot_general3A_250, %add3A_257 : vector<128x256xf32>
    %mul3A_259 = arith.mulf %convert_element_type3A_255, %add3A_258 : vector<128x256xf32>
    %slice3A_260 = vector.extract_strided_slice %get3A_4 {offsets = [1920, 0], sizes = [128, 128], strides = [1, 1]} : vector<2048x128xf32> to vector<128x128xf32>
    %get3A_261 = arith.constant 15 : index
    %get3A_262 = arith.constant 0 : index
    %get3A_263 = arith.constant 0 : index
    %get3A_264 = vector.load %arg5[%get3A_261, %get3A_262, %get3A_263] : memref<16x256x128xf32, #tpu.memory_space<vmem>>, vector<1x256x128xf32>
    %get3A_265 = vector.shape_cast %get3A_264 : vector<1x256x128xf32> to vector<256x128xf32>
    %dot_general3A_266 = arith.constant dense<0.000000e+00> : vector<128x256xf32>
    %dot_general3A_267 = tpu.matmul %slice3A_260, %get3A_265, %dot_general3A_266 {dimension_numbers = #tpu.dot_dimension_numbers<[1], [1], [0], [0], [0, 0, 1, 0], [], []>, transpose_lhs_hint = false} : vector<128x128xf32>, vector<256x128xf32>, vector<128x256xf32> -> vector<128x256xf32>
    %slice3A_268 = vector.extract_strided_slice %get3A_10 {offsets = [15, 0], sizes = [1, 256], strides = [1, 1]} : vector<16x256xi32> to vector<1x256xi32>
    %eq3A_269 = vector.broadcast %slice3A_268 : vector<1x256xi32> to vector<128x256xi32>
    %eq3A_270 = arith.cmpi eq, %eq3A_269, %iota3A_1 : vector<128x256xi32>
    %convert_element_type3A_271 = arith.extui %eq3A_270 : vector<128x256xi1> to vector<128x256xi32>
    %convert_element_type3A_272 = arith.sitofp %convert_element_type3A_271 : vector<128x256xi32> to vector<128x256xf32>
    %slice3A_273 = vector.extract_strided_slice %get3A_7 {offsets = [1920, 0], sizes = [128, 1], strides = [1, 1]} : vector<2048x1xf32> to vector<128x1xf32>
    %add3A_274 = vector.broadcast %slice3A_273 : vector<128x1xf32> to vector<128x256xf32>
    %add3A_275 = arith.addf %dot_general3A_267, %add3A_274 : vector<128x256xf32>
    %mul3A_276 = arith.mulf %convert_element_type3A_272, %add3A_275 : vector<128x256xf32>
    %concatenate3A = tpu.concatenate %mul3A, %mul3A_38, %mul3A_55, %mul3A_72, %mul3A_89, %mul3A_106, %mul3A_123, %mul3A_140, %mul3A_157, %mul3A_174, %mul3A_191, %mul3A_208, %mul3A_225, %mul3A_242, %mul3A_259, %mul3A_276 in 0 : vector<128x256xf32>, vector<128x256xf32>, vector<128x256xf32>, vector<128x256xf32>, vector<128x256xf32>, vector<128x256xf32>, vector<128x256xf32>, vector<128x256xf32>, vector<128x256xf32>, vector<128x256xf32>, vector<128x256xf32>, vector<128x256xf32>, vector<128x256xf32>, vector<128x256xf32>, vector<128x256xf32>, vector<128x256xf32> -> vector<2048x256xf32>
    %iota3A_277 = tpu.iota {dimensions = array<i32: 0>} : vector<16x2048xi32>
    %iota3A_278 = tpu.iota {dimensions = array<i32: 1>} : vector<16x2048xi32>
    %shift_right_arithmetic3A = arith.constant 7 : i32
    %shift_right_arithmetic3A_279 = vector.broadcast %shift_right_arithmetic3A : i32 to vector<16x2048xi32>
    %shift_right_arithmetic3A_280 = arith.shrsi %iota3A_278, %shift_right_arithmetic3A_279 : vector<16x2048xi32>
    %eq3A_281 = arith.cmpi eq, %iota3A_277, %shift_right_arithmetic3A_280 : vector<16x2048xi32>
    %convert_element_type3A_282 = arith.extui %eq3A_281 : vector<16x2048xi1> to vector<16x2048xi32>
    %convert_element_type3A_283 = arith.sitofp %convert_element_type3A_282 : vector<16x2048xi32> to vector<16x2048xf32>
    %dot_general3A_284 = arith.constant dense<0.000000e+00> : vector<16x256xf32>
    %dot_general3A_285 = tpu.matmul %convert_element_type3A_283, %concatenate3A, %dot_general3A_284 {dimension_numbers = #tpu.dot_dimension_numbers<[1], [0], [0], [1], [0, 0, 1, 1], [], []>, transpose_lhs_hint = false} : vector<16x2048xf32>, vector<2048x256xf32>, vector<16x256xf32> -> vector<16x256xf32>
    %get3A_286 = arith.constant 0 : index
    %get3A_287 = arith.constant 0 : index
    %get3A_288 = vector.load %arg7[%get3A_286, %get3A_287] : memref<16x256xi32, #tpu.memory_space<vmem>>, vector<16x256xi32>
    %eq3A_289 = arith.constant 2 : i32
    %eq3A_290 = vector.broadcast %eq3A_289 : i32 to vector<16x256xi32>
    %eq3A_291 = arith.cmpi eq, %get3A_10, %eq3A_290 : vector<16x256xi32>
    %convert_element_type3A_292 = arith.extui %eq3A_291 : vector<16x256xi1> to vector<16x256xi32>
    %sub3A = arith.constant 1 : i32
    %sub3A_293 = vector.broadcast %sub3A : i32 to vector<16x256xi32>
    %sub3A_294 = arith.subi %sub3A_293, %convert_element_type3A_292 : vector<16x256xi32>
    %mul3A_295 = arith.muli %sub3A_294, %get3A_288 : vector<16x256xi32>
    %mul3A_296 = arith.muli %convert_element_type3A_292, %get3A_288 : vector<16x256xi32>
    %get3A_297 = arith.constant 0 : index
    %get3A_298 = arith.constant 0 : index
    %get3A_299 = vector.load %arg2[%get3A_297, %get3A_298] : memref<16x1xi32, #tpu.memory_space<vmem>>, vector<16x1xi32>
    %eq3A_300 = arith.constant 2 : i32
    %eq3A_301 = vector.broadcast %eq3A_300 : i32 to vector<16x1xi32>
    %eq3A_302 = arith.cmpi eq, %get3A_299, %eq3A_301 : vector<16x1xi32>
    %convert_element_type3A_303 = arith.extui %eq3A_302 : vector<16x1xi1> to vector<16x1xi32>
    %sub3A_304 = arith.constant 1 : i32
    %sub3A_305 = vector.broadcast %sub3A_304 : i32 to vector<16x1xi32>
    %sub3A_306 = arith.subi %sub3A_305, %convert_element_type3A_303 : vector<16x1xi32>
    %eq3A_307 = arith.constant 0 : i32
    %eq3A_308 = vector.broadcast %eq3A_307 : i32 to vector<1x256xi32>
    %eq3A_309 = arith.cmpi eq, %iota3A, %eq3A_308 : vector<1x256xi32>
    %convert_element_type3A_310 = arith.extui %eq3A_309 : vector<1x256xi1> to vector<1x256xi32>
    %mul3A_311 = vector.broadcast %sub3A_306 : vector<16x1xi32> to vector<16x256xi32>
    %mul3A_312 = arith.muli %mul3A_311, %get3A_288 : vector<16x256xi32>
    %sub3A_313 = arith.constant 1 : i32
    %sub3A_314 = vector.broadcast %sub3A_313 : i32 to vector<16x1xi32>
    %sub3A_315 = arith.subi %sub3A_314, %sub3A_306 : vector<16x1xi32>
    %mul3A_316 = vector.broadcast %sub3A_315 : vector<16x1xi32> to vector<16x256xi32>
    %mul3A_317 = vector.broadcast %convert_element_type3A_310 : vector<1x256xi32> to vector<16x256xi32>
    %mul3A_318 = arith.muli %mul3A_316, %mul3A_317 : vector<16x256xi32>
    %add3A_319 = arith.addi %mul3A_312, %mul3A_318 : vector<16x256xi32>
    %eq3A_320 = arith.constant 0 : i32
    %eq3A_321 = arith.cmpi eq, %get3A_0, %eq3A_320 : i32
    %eq3A_322 = arith.constant 2 : i32
    %eq3A_323 = arith.cmpi eq, %get3A_0, %eq3A_322 : i32
    %select_n3A = arith.select %eq3A_323, %mul3A_296, %add3A_319 : vector<16x256xi32>
    %select_n3A_324 = arith.select %eq3A_321, %mul3A_295, %select_n3A : vector<16x256xi32>
    %gt3A = arith.constant 0 : i32
    %gt3A_325 = vector.broadcast %gt3A : i32 to vector<16x256xi32>
    %gt3A_326 = arith.cmpi sgt, %select_n3A_324, %gt3A_325 : vector<16x256xi32>
    %jit3A = arith.constant -1.000000e+09 : f32
    %broadcast_in_dim3A = vector.broadcast %jit3A : f32 to vector<16x256xf32>
    %select_n3A_327 = arith.select %gt3A_326, %dot_general3A_285, %broadcast_in_dim3A : vector<16x256xi1>, vector<16x256xf32>
    %reduce_max3A = arith.constant dense<0xFF800000> : vector<16xf32>
    %reduce_max3A_328 = vector.multi_reduction <maximumf>, %select_n3A_327, %reduce_max3A [1] : vector<16x256xf32> to vector<16xf32>
    %broadcast_in_dim3A_329 = vector.shape_cast %reduce_max3A_328 : vector<16xf32> to vector<16x1xf32>
    %sub3A_330 = vector.broadcast %broadcast_in_dim3A_329 : vector<16x1xf32> to vector<16x256xf32>
    %sub3A_331 = arith.subf %select_n3A_327, %sub3A_330 : vector<16x256xf32>
    %exp3A = math.exp %sub3A_331 : vector<16x256xf32>
    %reduce_sum3A = arith.constant dense<0.000000e+00> : vector<16xf32>
    %reduce_sum3A_332 = vector.multi_reduction <add>, %exp3A, %reduce_sum3A [1] : vector<16x256xf32> to vector<16xf32>
    %broadcast_in_dim3A_333 = vector.shape_cast %reduce_sum3A_332 : vector<16xf32> to vector<16x1xf32>
    %div3A = vector.broadcast %broadcast_in_dim3A_333 : vector<16x1xf32> to vector<16x256xf32>
    %div3A_334 = arith.divf %exp3A, %div3A : vector<16x256xf32>
    %swap3A = arith.constant 0 : index
    %swap3A_335 = arith.constant 0 : index
    %swap3A_336 = vector.load %arg8[%swap3A, %swap3A_335] : memref<16x256xf32, #tpu.memory_space<vmem>>, vector<16x256xf32>
    tpu.vector_store %arg8[%swap3A, %swap3A_335], %div3A_334 {strides = array<i32>} : memref<16x256xf32, #tpu.memory_space<vmem>>, vector<16x256xf32>,
    return
  }
  func.func @transform_0(%arg0: i32) -> i32 {
    %c0_i32 = arith.constant 0 : i32
    %c0_i32_0 = arith.constant 0 : i32
    return %c0_i32 : i32
  }
  func.func @transform_1(%arg0: i32) -> (i32, i32) {
    %c0_i32 = arith.constant 0 : i32
    %c0_i32_0 = arith.constant 0 : i32
    return %arg0, %c0_i32 : i32, i32
  }
  func.func @transform_2(%arg0: i32) -> (i32, i32) {
    %c0_i32 = arith.constant 0 : i32
    %c0_i32_0 = arith.constant 0 : i32
    return %arg0, %c0_i32 : i32, i32
  }
  func.func @transform_3(%arg0: i32) -> (i32, i32) {
    %c0_i32 = arith.constant 0 : i32
    %c0_i32_0 = arith.constant 0 : i32
    return %arg0, %c0_i32 : i32, i32
  }
  func.func @transform_4(%arg0: i32) -> (i32, i32, i32) {
    %c0_i32 = arith.constant 0 : i32
    %c0_i32_0 = arith.constant 0 : i32
    %c0_i32_1 = arith.constant 0 : i32
    return %arg0, %c0_i32, %c0_i32_0 : i32, i32, i32
  }
  func.func @transform_5(%arg0: i32) -> (i32, i32) {
    %c0_i32 = arith.constant 0 : i32
    %c0_i32_0 = arith.constant 0 : i32
    return %arg0, %c0_i32 : i32, i32
  }
  func.func @transform_6(%arg0: i32) -> (i32, i32) {
    %c0_i32 = arith.constant 0 : i32
    %c0_i32_0 = arith.constant 0 : i32
    return %arg0, %c0_i32 : i32, i32
  }
  func.func @transform_7(%arg0: i32) -> (i32, i32) {
    %c0_i32 = arith.constant 0 : i32
    %c0_i32_0 = arith.constant 0 : i32
    return %arg0, %c0_i32 : i32, i32
  }
}

module attributes {stable_mosaic.version = 14 : i64} {
  func.func @_tc1_body(%arg0: i32, %arg1: memref<32xi32, #tpu.memory_space<smem>>, %arg2: memref<1xf32, #tpu.memory_space<smem>>, %arg3: memref<16x64x128xf32, #tpu.memory_space<vmem>>, %arg4: memref<128x128xf32, #tpu.memory_space<vmem>>, %arg5: memref<1x128xf32, #tpu.memory_space<vmem>>, %arg6: memref<1x128xf32, #tpu.memory_space<vmem>>, %arg7: memref<128x128xf32, #tpu.memory_space<vmem>>, %arg8: memref<16x256xf32, #tpu.memory_space<vmem>>, %arg9: memref<384x256xf32, #tpu.memory_space<vmem>>, %arg10: memref<1x256xf32, #tpu.memory_space<vmem>>, %arg11: memref<256x256xf32, #tpu.memory_space<vmem>>, %arg12: memref<1x256xf32, #tpu.memory_space<vmem>>, %arg13: memref<2048x128xf32, #tpu.memory_space<vmem>>, %arg14: memref<2048x1xf32, #tpu.memory_space<vmem>>) attributes {dimension_semantics = [#tpu.dimension_semantics<arbitrary>], iteration_bounds = array<i64: 2>, scalar_prefetch = 0 : i64, scratch_operands = 0 : i64, tpu.core_type = #tpu.core_type<tc>, window_params = [{transform_indices = @transform_0, window_bounds = array<i64: 32>}, {transform_indices = @transform_1, window_bounds = array<i64: 1>}, {transform_indices = @transform_2, window_bounds = array<i64: 16, 64, 128>}, {pipeline_mode = #tpu.pipeline_mode<synchronous>, transform_indices = @transform_3, window_bounds = array<i64: 128, 128>}, {pipeline_mode = #tpu.pipeline_mode<synchronous>, transform_indices = @transform_4, window_bounds = array<i64: 1, 128>}, {pipeline_mode = #tpu.pipeline_mode<synchronous>, transform_indices = @transform_5, window_bounds = array<i64: 1, 128>}, {pipeline_mode = #tpu.pipeline_mode<synchronous>, transform_indices = @transform_6, window_bounds = array<i64: 128, 128>}, {transform_indices = @transform_7, window_bounds = array<i64: 16, 256>}, {pipeline_mode = #tpu.pipeline_mode<synchronous>, transform_indices = @transform_8, window_bounds = array<i64: 384, 256>}, {pipeline_mode = #tpu.pipeline_mode<synchronous>, transform_indices = @transform_9, window_bounds = array<i64: 1, 256>}, {pipeline_mode = #tpu.pipeline_mode<synchronous>, transform_indices = @transform_10, window_bounds = array<i64: 256, 256>}, {pipeline_mode = #tpu.pipeline_mode<synchronous>, transform_indices = @transform_11, window_bounds = array<i64: 1, 256>}, {transform_indices = @transform_12, window_bounds = array<i64: 2048, 128>}, {transform_indices = @transform_13, window_bounds = array<i64: 2048, 1>}]} {
    %get3A = arith.constant 0 : index
    %get3A_0 = arith.constant 0 : index
    %get3A_1 = vector.load %arg4[%get3A, %get3A_0] : memref<128x128xf32, #tpu.memory_space<vmem>>, vector<128x128xf32>
    %get3A_2 = arith.constant 0 : index
    %get3A_3 = arith.constant 0 : index
    %get3A_4 = vector.load %arg5[%get3A_2, %get3A_3] : memref<1x128xf32, #tpu.memory_space<vmem>>, vector<1x128xf32>
    %get3A_5 = arith.constant 0 : index
    %get3A_6 = arith.constant 0 : index
    %get3A_7 = vector.load %arg6[%get3A_5, %get3A_6] : memref<1x128xf32, #tpu.memory_space<vmem>>, vector<1x128xf32>
    %get3A_8 = arith.constant 0 : index
    %get3A_9 = arith.constant 0 : index
    %get3A_10 = vector.load %arg7[%get3A_8, %get3A_9] : memref<128x128xf32, #tpu.memory_space<vmem>>, vector<128x128xf32>
    %get3A_11 = arith.constant 0 : index
    %get3A_12 = arith.constant 0 : index
    %get3A_13 = vector.load %arg9[%get3A_11, %get3A_12] : memref<384x256xf32, #tpu.memory_space<vmem>>, vector<384x256xf32>
    %get3A_14 = arith.constant 0 : index
    %get3A_15 = arith.constant 0 : index
    %get3A_16 = vector.load %arg11[%get3A_14, %get3A_15] : memref<256x256xf32, #tpu.memory_space<vmem>>, vector<256x256xf32>
    %get3A_17 = arith.constant 0 : index
    %get3A_18 = arith.constant 0 : index
    %get3A_19 = vector.load %arg10[%get3A_17, %get3A_18] : memref<1x256xf32, #tpu.memory_space<vmem>>, vector<1x256xf32>
    %get3A_20 = arith.constant 0 : index
    %get3A_21 = arith.constant 0 : index
    %get3A_22 = vector.load %arg12[%get3A_20, %get3A_21] : memref<1x256xf32, #tpu.memory_space<vmem>>, vector<1x256xf32>
    %iota3A = tpu.iota {dimensions = array<i32: 0>} : vector<64x1xi32>
    %get3A_23 = arith.constant 0 : index
    %get3A_24 = arith.constant 0 : index
    %get3A_25 = arith.constant 0 : index
    %get3A_26 = vector.load %arg3[%get3A_23, %get3A_24, %get3A_25] : memref<16x64x128xf32, #tpu.memory_space<vmem>>, vector<16x64x128xf32>
    %reshape3A = vector.shape_cast %get3A_26 : vector<16x64x128xf32> to vector<1024x128xf32>
    %dot_general3A = arith.constant dense<0.000000e+00> : vector<1024x128xf32>
    %dot_general3A_27 = tpu.matmul %reshape3A, %get3A_1, %dot_general3A {dimension_numbers = #tpu.dot_dimension_numbers<[1], [0], [0], [1], [0, 0, 1, 1], [], []>, transpose_lhs_hint = false} : vector<1024x128xf32>, vector<128x128xf32>, vector<1024x128xf32> -> vector<1024x128xf32>
    %add3A = vector.broadcast %get3A_4 : vector<1x128xf32> to vector<1024x128xf32>
    %add3A_28 = arith.addf %dot_general3A_27, %add3A : vector<1024x128xf32>
    %tanh3A = math.tanh %add3A_28 : vector<1024x128xf32>
    %mul3A = vector.broadcast %get3A_7 : vector<1x128xf32> to vector<1024x128xf32>
    %mul3A_29 = arith.mulf %tanh3A, %mul3A : vector<1024x128xf32>
    %dot_general3A_30 = arith.constant dense<0.000000e+00> : vector<1024x128xf32>
    %dot_general3A_31 = tpu.matmul %mul3A_29, %get3A_10, %dot_general3A_30 {dimension_numbers = #tpu.dot_dimension_numbers<[1], [1], [0], [0], [0, 0, 1, 0], [], []>, transpose_lhs_hint = false} : vector<1024x128xf32>, vector<128x128xf32>, vector<1024x128xf32> -> vector<1024x128xf32>
    %get3A_32 = arith.constant 0 : index
    %get3A_33 = memref.load %arg2[%get3A_32] : memref<1xf32, #tpu.memory_space<smem>>
    %add3A_34 = vector.broadcast %get3A_33 : f32 to vector<1024x128xf32>
    %add3A_35 = arith.addf %dot_general3A_31, %add3A_34 : vector<1024x128xf32>
    %mul3A_36 = arith.constant 16 : i32
    %mul3A_37 = arith.muli %arg0, %mul3A_36 : i32
    %add3A_38 = arith.constant 0 : i32
    %add3A_39 = arith.addi %mul3A_37, %add3A_38 : i32
    %slice3A = vector.extract_strided_slice %tanh3A {offsets = [0, 0], sizes = [64, 128], strides = [1, 1]} : vector<1024x128xf32> to vector<64x128xf32>
    %get3A_40 = arith.index_cast %add3A_39 : i32 to index
    %get3A_41 = memref.load %arg1[%get3A_40] : memref<32xi32, #tpu.memory_space<smem>>
    %ge3A = vector.broadcast %get3A_41 : i32 to vector<64x1xi32>
    %ge3A_42 = arith.cmpi sge, %iota3A, %ge3A : vector<64x1xi32>
    %slice3A_43 = vector.extract_strided_slice %add3A_35 {offsets = [0, 0], sizes = [64, 128], strides = [1, 1]} : vector<1024x128xf32> to vector<64x128xf32>
    %jit3A = arith.constant -1.000000e+09 : f32
    %broadcast_in_dim3A = vector.shape_cast %ge3A_42 : vector<64x1xi1> to vector<64x1xi1>
    %broadcast_in_dim3A_44 = vector.broadcast %broadcast_in_dim3A : vector<64x1xi1> to vector<64x128xi1>
    %broadcast_in_dim3A_45 = vector.broadcast %jit3A : f32 to vector<64x128xf32>
    %select_n3A = arith.select %broadcast_in_dim3A_44, %broadcast_in_dim3A_45, %slice3A_43 : vector<64x128xi1>, vector<64x128xf32>
    %reduce_max3A = arith.constant dense<0xFF800000> : vector<128xf32>
    %reduce_max3A_46 = vector.multi_reduction <maximumf>, %select_n3A, %reduce_max3A [0] : vector<64x128xf32> to vector<128xf32>
    %broadcast_in_dim3A_47 = vector.shape_cast %reduce_max3A_46 : vector<128xf32> to vector<1x128xf32>
    %sub3A = vector.broadcast %broadcast_in_dim3A_47 : vector<1x128xf32> to vector<64x128xf32>
    %sub3A_48 = arith.subf %select_n3A, %sub3A : vector<64x128xf32>
    %exp3A = math.exp %sub3A_48 : vector<64x128xf32>
    %reduce_sum3A = arith.constant dense<0.000000e+00> : vector<128xf32>
    %reduce_sum3A_49 = vector.multi_reduction <add>, %exp3A, %reduce_sum3A [0] : vector<64x128xf32> to vector<128xf32>
    %broadcast_in_dim3A_50 = vector.shape_cast %reduce_sum3A_49 : vector<128xf32> to vector<1x128xf32>
    %div3A = vector.broadcast %broadcast_in_dim3A_50 : vector<1x128xf32> to vector<64x128xf32>
    %div3A_51 = arith.divf %exp3A, %div3A : vector<64x128xf32>
    %dot_general3A_52 = arith.constant dense<0.000000e+00> : vector<128x128xf32>
    %dot_general3A_53 = tpu.matmul %div3A_51, %slice3A, %dot_general3A_52 {dimension_numbers = #tpu.dot_dimension_numbers<[0], [0], [1], [1], [0, 1, 1, 1], [], []>, transpose_lhs_hint = false} : vector<64x128xf32>, vector<64x128xf32>, vector<128x128xf32> -> vector<128x128xf32>
    %mul3A_54 = arith.constant 16 : i32
    %mul3A_55 = arith.muli %arg0, %mul3A_54 : i32
    %add3A_56 = arith.constant 1 : i32
    %add3A_57 = arith.addi %mul3A_55, %add3A_56 : i32
    %slice3A_58 = vector.extract_strided_slice %tanh3A {offsets = [64, 0], sizes = [64, 128], strides = [1, 1]} : vector<1024x128xf32> to vector<64x128xf32>
    %get3A_59 = arith.index_cast %add3A_57 : i32 to index
    %get3A_60 = memref.load %arg1[%get3A_59] : memref<32xi32, #tpu.memory_space<smem>>
    %ge3A_61 = vector.broadcast %get3A_60 : i32 to vector<64x1xi32>
    %ge3A_62 = arith.cmpi sge, %iota3A, %ge3A_61 : vector<64x1xi32>
    %slice3A_63 = vector.extract_strided_slice %add3A_35 {offsets = [64, 0], sizes = [64, 128], strides = [1, 1]} : vector<1024x128xf32> to vector<64x128xf32>
    %jit3A_64 = arith.constant -1.000000e+09 : f32
    %broadcast_in_dim3A_65 = vector.shape_cast %ge3A_62 : vector<64x1xi1> to vector<64x1xi1>
    %broadcast_in_dim3A_66 = vector.broadcast %broadcast_in_dim3A_65 : vector<64x1xi1> to vector<64x128xi1>
    %broadcast_in_dim3A_67 = vector.broadcast %jit3A_64 : f32 to vector<64x128xf32>
    %select_n3A_68 = arith.select %broadcast_in_dim3A_66, %broadcast_in_dim3A_67, %slice3A_63 : vector<64x128xi1>, vector<64x128xf32>
    %reduce_max3A_69 = arith.constant dense<0xFF800000> : vector<128xf32>
    %reduce_max3A_70 = vector.multi_reduction <maximumf>, %select_n3A_68, %reduce_max3A_69 [0] : vector<64x128xf32> to vector<128xf32>
    %broadcast_in_dim3A_71 = vector.shape_cast %reduce_max3A_70 : vector<128xf32> to vector<1x128xf32>
    %sub3A_72 = vector.broadcast %broadcast_in_dim3A_71 : vector<1x128xf32> to vector<64x128xf32>
    %sub3A_73 = arith.subf %select_n3A_68, %sub3A_72 : vector<64x128xf32>
    %exp3A_74 = math.exp %sub3A_73 : vector<64x128xf32>
    %reduce_sum3A_75 = arith.constant dense<0.000000e+00> : vector<128xf32>
    %reduce_sum3A_76 = vector.multi_reduction <add>, %exp3A_74, %reduce_sum3A_75 [0] : vector<64x128xf32> to vector<128xf32>
    %broadcast_in_dim3A_77 = vector.shape_cast %reduce_sum3A_76 : vector<128xf32> to vector<1x128xf32>
    %div3A_78 = vector.broadcast %broadcast_in_dim3A_77 : vector<1x128xf32> to vector<64x128xf32>
    %div3A_79 = arith.divf %exp3A_74, %div3A_78 : vector<64x128xf32>
    %dot_general3A_80 = arith.constant dense<0.000000e+00> : vector<128x128xf32>
    %dot_general3A_81 = tpu.matmul %div3A_79, %slice3A_58, %dot_general3A_80 {dimension_numbers = #tpu.dot_dimension_numbers<[0], [0], [1], [1], [0, 1, 1, 1], [], []>, transpose_lhs_hint = false} : vector<64x128xf32>, vector<64x128xf32>, vector<128x128xf32> -> vector<128x128xf32>
    %mul3A_82 = arith.constant 16 : i32
    %mul3A_83 = arith.muli %arg0, %mul3A_82 : i32
    %add3A_84 = arith.constant 2 : i32
    %add3A_85 = arith.addi %mul3A_83, %add3A_84 : i32
    %slice3A_86 = vector.extract_strided_slice %tanh3A {offsets = [128, 0], sizes = [64, 128], strides = [1, 1]} : vector<1024x128xf32> to vector<64x128xf32>
    %get3A_87 = arith.index_cast %add3A_85 : i32 to index
    %get3A_88 = memref.load %arg1[%get3A_87] : memref<32xi32, #tpu.memory_space<smem>>
    %ge3A_89 = vector.broadcast %get3A_88 : i32 to vector<64x1xi32>
    %ge3A_90 = arith.cmpi sge, %iota3A, %ge3A_89 : vector<64x1xi32>
    %slice3A_91 = vector.extract_strided_slice %add3A_35 {offsets = [128, 0], sizes = [64, 128], strides = [1, 1]} : vector<1024x128xf32> to vector<64x128xf32>
    %jit3A_92 = arith.constant -1.000000e+09 : f32
    %broadcast_in_dim3A_93 = vector.shape_cast %ge3A_90 : vector<64x1xi1> to vector<64x1xi1>
    %broadcast_in_dim3A_94 = vector.broadcast %broadcast_in_dim3A_93 : vector<64x1xi1> to vector<64x128xi1>
    %broadcast_in_dim3A_95 = vector.broadcast %jit3A_92 : f32 to vector<64x128xf32>
    %select_n3A_96 = arith.select %broadcast_in_dim3A_94, %broadcast_in_dim3A_95, %slice3A_91 : vector<64x128xi1>, vector<64x128xf32>
    %reduce_max3A_97 = arith.constant dense<0xFF800000> : vector<128xf32>
    %reduce_max3A_98 = vector.multi_reduction <maximumf>, %select_n3A_96, %reduce_max3A_97 [0] : vector<64x128xf32> to vector<128xf32>
    %broadcast_in_dim3A_99 = vector.shape_cast %reduce_max3A_98 : vector<128xf32> to vector<1x128xf32>
    %sub3A_100 = vector.broadcast %broadcast_in_dim3A_99 : vector<1x128xf32> to vector<64x128xf32>
    %sub3A_101 = arith.subf %select_n3A_96, %sub3A_100 : vector<64x128xf32>
    %exp3A_102 = math.exp %sub3A_101 : vector<64x128xf32>
    %reduce_sum3A_103 = arith.constant dense<0.000000e+00> : vector<128xf32>
    %reduce_sum3A_104 = vector.multi_reduction <add>, %exp3A_102, %reduce_sum3A_103 [0] : vector<64x128xf32> to vector<128xf32>
    %broadcast_in_dim3A_105 = vector.shape_cast %reduce_sum3A_104 : vector<128xf32> to vector<1x128xf32>
    %div3A_106 = vector.broadcast %broadcast_in_dim3A_105 : vector<1x128xf32> to vector<64x128xf32>
    %div3A_107 = arith.divf %exp3A_102, %div3A_106 : vector<64x128xf32>
    %dot_general3A_108 = arith.constant dense<0.000000e+00> : vector<128x128xf32>
    %dot_general3A_109 = tpu.matmul %div3A_107, %slice3A_86, %dot_general3A_108 {dimension_numbers = #tpu.dot_dimension_numbers<[0], [0], [1], [1], [0, 1, 1, 1], [], []>, transpose_lhs_hint = false} : vector<64x128xf32>, vector<64x128xf32>, vector<128x128xf32> -> vector<128x128xf32>
    %mul3A_110 = arith.constant 16 : i32
    %mul3A_111 = arith.muli %arg0, %mul3A_110 : i32
    %add3A_112 = arith.constant 3 : i32
    %add3A_113 = arith.addi %mul3A_111, %add3A_112 : i32
    %slice3A_114 = vector.extract_strided_slice %tanh3A {offsets = [192, 0], sizes = [64, 128], strides = [1, 1]} : vector<1024x128xf32> to vector<64x128xf32>
    %get3A_115 = arith.index_cast %add3A_113 : i32 to index
    %get3A_116 = memref.load %arg1[%get3A_115] : memref<32xi32, #tpu.memory_space<smem>>
    %ge3A_117 = vector.broadcast %get3A_116 : i32 to vector<64x1xi32>
    %ge3A_118 = arith.cmpi sge, %iota3A, %ge3A_117 : vector<64x1xi32>
    %slice3A_119 = vector.extract_strided_slice %add3A_35 {offsets = [192, 0], sizes = [64, 128], strides = [1, 1]} : vector<1024x128xf32> to vector<64x128xf32>
    %jit3A_120 = arith.constant -1.000000e+09 : f32
    %broadcast_in_dim3A_121 = vector.shape_cast %ge3A_118 : vector<64x1xi1> to vector<64x1xi1>
    %broadcast_in_dim3A_122 = vector.broadcast %broadcast_in_dim3A_121 : vector<64x1xi1> to vector<64x128xi1>
    %broadcast_in_dim3A_123 = vector.broadcast %jit3A_120 : f32 to vector<64x128xf32>
    %select_n3A_124 = arith.select %broadcast_in_dim3A_122, %broadcast_in_dim3A_123, %slice3A_119 : vector<64x128xi1>, vector<64x128xf32>
    %reduce_max3A_125 = arith.constant dense<0xFF800000> : vector<128xf32>
    %reduce_max3A_126 = vector.multi_reduction <maximumf>, %select_n3A_124, %reduce_max3A_125 [0] : vector<64x128xf32> to vector<128xf32>
    %broadcast_in_dim3A_127 = vector.shape_cast %reduce_max3A_126 : vector<128xf32> to vector<1x128xf32>
    %sub3A_128 = vector.broadcast %broadcast_in_dim3A_127 : vector<1x128xf32> to vector<64x128xf32>
    %sub3A_129 = arith.subf %select_n3A_124, %sub3A_128 : vector<64x128xf32>
    %exp3A_130 = math.exp %sub3A_129 : vector<64x128xf32>
    %reduce_sum3A_131 = arith.constant dense<0.000000e+00> : vector<128xf32>
    %reduce_sum3A_132 = vector.multi_reduction <add>, %exp3A_130, %reduce_sum3A_131 [0] : vector<64x128xf32> to vector<128xf32>
    %broadcast_in_dim3A_133 = vector.shape_cast %reduce_sum3A_132 : vector<128xf32> to vector<1x128xf32>
    %div3A_134 = vector.broadcast %broadcast_in_dim3A_133 : vector<1x128xf32> to vector<64x128xf32>
    %div3A_135 = arith.divf %exp3A_130, %div3A_134 : vector<64x128xf32>
    %dot_general3A_136 = arith.constant dense<0.000000e+00> : vector<128x128xf32>
    %dot_general3A_137 = tpu.matmul %div3A_135, %slice3A_114, %dot_general3A_136 {dimension_numbers = #tpu.dot_dimension_numbers<[0], [0], [1], [1], [0, 1, 1, 1], [], []>, transpose_lhs_hint = false} : vector<64x128xf32>, vector<64x128xf32>, vector<128x128xf32> -> vector<128x128xf32>
    %mul3A_138 = arith.constant 16 : i32
    %mul3A_139 = arith.muli %arg0, %mul3A_138 : i32
    %add3A_140 = arith.constant 4 : i32
    %add3A_141 = arith.addi %mul3A_139, %add3A_140 : i32
    %slice3A_142 = vector.extract_strided_slice %tanh3A {offsets = [256, 0], sizes = [64, 128], strides = [1, 1]} : vector<1024x128xf32> to vector<64x128xf32>
    %get3A_143 = arith.index_cast %add3A_141 : i32 to index
    %get3A_144 = memref.load %arg1[%get3A_143] : memref<32xi32, #tpu.memory_space<smem>>
    %ge3A_145 = vector.broadcast %get3A_144 : i32 to vector<64x1xi32>
    %ge3A_146 = arith.cmpi sge, %iota3A, %ge3A_145 : vector<64x1xi32>
    %slice3A_147 = vector.extract_strided_slice %add3A_35 {offsets = [256, 0], sizes = [64, 128], strides = [1, 1]} : vector<1024x128xf32> to vector<64x128xf32>
    %jit3A_148 = arith.constant -1.000000e+09 : f32
    %broadcast_in_dim3A_149 = vector.shape_cast %ge3A_146 : vector<64x1xi1> to vector<64x1xi1>
    %broadcast_in_dim3A_150 = vector.broadcast %broadcast_in_dim3A_149 : vector<64x1xi1> to vector<64x128xi1>
    %broadcast_in_dim3A_151 = vector.broadcast %jit3A_148 : f32 to vector<64x128xf32>
    %select_n3A_152 = arith.select %broadcast_in_dim3A_150, %broadcast_in_dim3A_151, %slice3A_147 : vector<64x128xi1>, vector<64x128xf32>
    %reduce_max3A_153 = arith.constant dense<0xFF800000> : vector<128xf32>
    %reduce_max3A_154 = vector.multi_reduction <maximumf>, %select_n3A_152, %reduce_max3A_153 [0] : vector<64x128xf32> to vector<128xf32>
    %broadcast_in_dim3A_155 = vector.shape_cast %reduce_max3A_154 : vector<128xf32> to vector<1x128xf32>
    %sub3A_156 = vector.broadcast %broadcast_in_dim3A_155 : vector<1x128xf32> to vector<64x128xf32>
    %sub3A_157 = arith.subf %select_n3A_152, %sub3A_156 : vector<64x128xf32>
    %exp3A_158 = math.exp %sub3A_157 : vector<64x128xf32>
    %reduce_sum3A_159 = arith.constant dense<0.000000e+00> : vector<128xf32>
    %reduce_sum3A_160 = vector.multi_reduction <add>, %exp3A_158, %reduce_sum3A_159 [0] : vector<64x128xf32> to vector<128xf32>
    %broadcast_in_dim3A_161 = vector.shape_cast %reduce_sum3A_160 : vector<128xf32> to vector<1x128xf32>
    %div3A_162 = vector.broadcast %broadcast_in_dim3A_161 : vector<1x128xf32> to vector<64x128xf32>
    %div3A_163 = arith.divf %exp3A_158, %div3A_162 : vector<64x128xf32>
    %dot_general3A_164 = arith.constant dense<0.000000e+00> : vector<128x128xf32>
    %dot_general3A_165 = tpu.matmul %div3A_163, %slice3A_142, %dot_general3A_164 {dimension_numbers = #tpu.dot_dimension_numbers<[0], [0], [1], [1], [0, 1, 1, 1], [], []>, transpose_lhs_hint = false} : vector<64x128xf32>, vector<64x128xf32>, vector<128x128xf32> -> vector<128x128xf32>
    %mul3A_166 = arith.constant 16 : i32
    %mul3A_167 = arith.muli %arg0, %mul3A_166 : i32
    %add3A_168 = arith.constant 5 : i32
    %add3A_169 = arith.addi %mul3A_167, %add3A_168 : i32
    %slice3A_170 = vector.extract_strided_slice %tanh3A {offsets = [320, 0], sizes = [64, 128], strides = [1, 1]} : vector<1024x128xf32> to vector<64x128xf32>
    %get3A_171 = arith.index_cast %add3A_169 : i32 to index
    %get3A_172 = memref.load %arg1[%get3A_171] : memref<32xi32, #tpu.memory_space<smem>>
    %ge3A_173 = vector.broadcast %get3A_172 : i32 to vector<64x1xi32>
    %ge3A_174 = arith.cmpi sge, %iota3A, %ge3A_173 : vector<64x1xi32>
    %slice3A_175 = vector.extract_strided_slice %add3A_35 {offsets = [320, 0], sizes = [64, 128], strides = [1, 1]} : vector<1024x128xf32> to vector<64x128xf32>
    %jit3A_176 = arith.constant -1.000000e+09 : f32
    %broadcast_in_dim3A_177 = vector.shape_cast %ge3A_174 : vector<64x1xi1> to vector<64x1xi1>
    %broadcast_in_dim3A_178 = vector.broadcast %broadcast_in_dim3A_177 : vector<64x1xi1> to vector<64x128xi1>
    %broadcast_in_dim3A_179 = vector.broadcast %jit3A_176 : f32 to vector<64x128xf32>
    %select_n3A_180 = arith.select %broadcast_in_dim3A_178, %broadcast_in_dim3A_179, %slice3A_175 : vector<64x128xi1>, vector<64x128xf32>
    %reduce_max3A_181 = arith.constant dense<0xFF800000> : vector<128xf32>
    %reduce_max3A_182 = vector.multi_reduction <maximumf>, %select_n3A_180, %reduce_max3A_181 [0] : vector<64x128xf32> to vector<128xf32>
    %broadcast_in_dim3A_183 = vector.shape_cast %reduce_max3A_182 : vector<128xf32> to vector<1x128xf32>
    %sub3A_184 = vector.broadcast %broadcast_in_dim3A_183 : vector<1x128xf32> to vector<64x128xf32>
    %sub3A_185 = arith.subf %select_n3A_180, %sub3A_184 : vector<64x128xf32>
    %exp3A_186 = math.exp %sub3A_185 : vector<64x128xf32>
    %reduce_sum3A_187 = arith.constant dense<0.000000e+00> : vector<128xf32>
    %reduce_sum3A_188 = vector.multi_reduction <add>, %exp3A_186, %reduce_sum3A_187 [0] : vector<64x128xf32> to vector<128xf32>
    %broadcast_in_dim3A_189 = vector.shape_cast %reduce_sum3A_188 : vector<128xf32> to vector<1x128xf32>
    %div3A_190 = vector.broadcast %broadcast_in_dim3A_189 : vector<1x128xf32> to vector<64x128xf32>
    %div3A_191 = arith.divf %exp3A_186, %div3A_190 : vector<64x128xf32>
    %dot_general3A_192 = arith.constant dense<0.000000e+00> : vector<128x128xf32>
    %dot_general3A_193 = tpu.matmul %div3A_191, %slice3A_170, %dot_general3A_192 {dimension_numbers = #tpu.dot_dimension_numbers<[0], [0], [1], [1], [0, 1, 1, 1], [], []>, transpose_lhs_hint = false} : vector<64x128xf32>, vector<64x128xf32>, vector<128x128xf32> -> vector<128x128xf32>
    %mul3A_194 = arith.constant 16 : i32
    %mul3A_195 = arith.muli %arg0, %mul3A_194 : i32
    %add3A_196 = arith.constant 6 : i32
    %add3A_197 = arith.addi %mul3A_195, %add3A_196 : i32
    %slice3A_198 = vector.extract_strided_slice %tanh3A {offsets = [384, 0], sizes = [64, 128], strides = [1, 1]} : vector<1024x128xf32> to vector<64x128xf32>
    %get3A_199 = arith.index_cast %add3A_197 : i32 to index
    %get3A_200 = memref.load %arg1[%get3A_199] : memref<32xi32, #tpu.memory_space<smem>>
    %ge3A_201 = vector.broadcast %get3A_200 : i32 to vector<64x1xi32>
    %ge3A_202 = arith.cmpi sge, %iota3A, %ge3A_201 : vector<64x1xi32>
    %slice3A_203 = vector.extract_strided_slice %add3A_35 {offsets = [384, 0], sizes = [64, 128], strides = [1, 1]} : vector<1024x128xf32> to vector<64x128xf32>
    %jit3A_204 = arith.constant -1.000000e+09 : f32
    %broadcast_in_dim3A_205 = vector.shape_cast %ge3A_202 : vector<64x1xi1> to vector<64x1xi1>
    %broadcast_in_dim3A_206 = vector.broadcast %broadcast_in_dim3A_205 : vector<64x1xi1> to vector<64x128xi1>
    %broadcast_in_dim3A_207 = vector.broadcast %jit3A_204 : f32 to vector<64x128xf32>
    %select_n3A_208 = arith.select %broadcast_in_dim3A_206, %broadcast_in_dim3A_207, %slice3A_203 : vector<64x128xi1>, vector<64x128xf32>
    %reduce_max3A_209 = arith.constant dense<0xFF800000> : vector<128xf32>
    %reduce_max3A_210 = vector.multi_reduction <maximumf>, %select_n3A_208, %reduce_max3A_209 [0] : vector<64x128xf32> to vector<128xf32>
    %broadcast_in_dim3A_211 = vector.shape_cast %reduce_max3A_210 : vector<128xf32> to vector<1x128xf32>
    %sub3A_212 = vector.broadcast %broadcast_in_dim3A_211 : vector<1x128xf32> to vector<64x128xf32>
    %sub3A_213 = arith.subf %select_n3A_208, %sub3A_212 : vector<64x128xf32>
    %exp3A_214 = math.exp %sub3A_213 : vector<64x128xf32>
    %reduce_sum3A_215 = arith.constant dense<0.000000e+00> : vector<128xf32>
    %reduce_sum3A_216 = vector.multi_reduction <add>, %exp3A_214, %reduce_sum3A_215 [0] : vector<64x128xf32> to vector<128xf32>
    %broadcast_in_dim3A_217 = vector.shape_cast %reduce_sum3A_216 : vector<128xf32> to vector<1x128xf32>
    %div3A_218 = vector.broadcast %broadcast_in_dim3A_217 : vector<1x128xf32> to vector<64x128xf32>
    %div3A_219 = arith.divf %exp3A_214, %div3A_218 : vector<64x128xf32>
    %dot_general3A_220 = arith.constant dense<0.000000e+00> : vector<128x128xf32>
    %dot_general3A_221 = tpu.matmul %div3A_219, %slice3A_198, %dot_general3A_220 {dimension_numbers = #tpu.dot_dimension_numbers<[0], [0], [1], [1], [0, 1, 1, 1], [], []>, transpose_lhs_hint = false} : vector<64x128xf32>, vector<64x128xf32>, vector<128x128xf32> -> vector<128x128xf32>
    %mul3A_222 = arith.constant 16 : i32
    %mul3A_223 = arith.muli %arg0, %mul3A_222 : i32
    %add3A_224 = arith.constant 7 : i32
    %add3A_225 = arith.addi %mul3A_223, %add3A_224 : i32
    %slice3A_226 = vector.extract_strided_slice %tanh3A {offsets = [448, 0], sizes = [64, 128], strides = [1, 1]} : vector<1024x128xf32> to vector<64x128xf32>
    %get3A_227 = arith.index_cast %add3A_225 : i32 to index
    %get3A_228 = memref.load %arg1[%get3A_227] : memref<32xi32, #tpu.memory_space<smem>>
    %ge3A_229 = vector.broadcast %get3A_228 : i32 to vector<64x1xi32>
    %ge3A_230 = arith.cmpi sge, %iota3A, %ge3A_229 : vector<64x1xi32>
    %slice3A_231 = vector.extract_strided_slice %add3A_35 {offsets = [448, 0], sizes = [64, 128], strides = [1, 1]} : vector<1024x128xf32> to vector<64x128xf32>
    %jit3A_232 = arith.constant -1.000000e+09 : f32
    %broadcast_in_dim3A_233 = vector.shape_cast %ge3A_230 : vector<64x1xi1> to vector<64x1xi1>
    %broadcast_in_dim3A_234 = vector.broadcast %broadcast_in_dim3A_233 : vector<64x1xi1> to vector<64x128xi1>
    %broadcast_in_dim3A_235 = vector.broadcast %jit3A_232 : f32 to vector<64x128xf32>
    %select_n3A_236 = arith.select %broadcast_in_dim3A_234, %broadcast_in_dim3A_235, %slice3A_231 : vector<64x128xi1>, vector<64x128xf32>
    %reduce_max3A_237 = arith.constant dense<0xFF800000> : vector<128xf32>
    %reduce_max3A_238 = vector.multi_reduction <maximumf>, %select_n3A_236, %reduce_max3A_237 [0] : vector<64x128xf32> to vector<128xf32>
    %broadcast_in_dim3A_239 = vector.shape_cast %reduce_max3A_238 : vector<128xf32> to vector<1x128xf32>
    %sub3A_240 = vector.broadcast %broadcast_in_dim3A_239 : vector<1x128xf32> to vector<64x128xf32>
    %sub3A_241 = arith.subf %select_n3A_236, %sub3A_240 : vector<64x128xf32>
    %exp3A_242 = math.exp %sub3A_241 : vector<64x128xf32>
    %reduce_sum3A_243 = arith.constant dense<0.000000e+00> : vector<128xf32>
    %reduce_sum3A_244 = vector.multi_reduction <add>, %exp3A_242, %reduce_sum3A_243 [0] : vector<64x128xf32> to vector<128xf32>
    %broadcast_in_dim3A_245 = vector.shape_cast %reduce_sum3A_244 : vector<128xf32> to vector<1x128xf32>
    %div3A_246 = vector.broadcast %broadcast_in_dim3A_245 : vector<1x128xf32> to vector<64x128xf32>
    %div3A_247 = arith.divf %exp3A_242, %div3A_246 : vector<64x128xf32>
    %dot_general3A_248 = arith.constant dense<0.000000e+00> : vector<128x128xf32>
    %dot_general3A_249 = tpu.matmul %div3A_247, %slice3A_226, %dot_general3A_248 {dimension_numbers = #tpu.dot_dimension_numbers<[0], [0], [1], [1], [0, 1, 1, 1], [], []>, transpose_lhs_hint = false} : vector<64x128xf32>, vector<64x128xf32>, vector<128x128xf32> -> vector<128x128xf32>
    %mul3A_250 = arith.constant 16 : i32
    %mul3A_251 = arith.muli %arg0, %mul3A_250 : i32
    %add3A_252 = arith.constant 8 : i32
    %add3A_253 = arith.addi %mul3A_251, %add3A_252 : i32
    %slice3A_254 = vector.extract_strided_slice %tanh3A {offsets = [512, 0], sizes = [64, 128], strides = [1, 1]} : vector<1024x128xf32> to vector<64x128xf32>
    %get3A_255 = arith.index_cast %add3A_253 : i32 to index
    %get3A_256 = memref.load %arg1[%get3A_255] : memref<32xi32, #tpu.memory_space<smem>>
    %ge3A_257 = vector.broadcast %get3A_256 : i32 to vector<64x1xi32>
    %ge3A_258 = arith.cmpi sge, %iota3A, %ge3A_257 : vector<64x1xi32>
    %slice3A_259 = vector.extract_strided_slice %add3A_35 {offsets = [512, 0], sizes = [64, 128], strides = [1, 1]} : vector<1024x128xf32> to vector<64x128xf32>
    %jit3A_260 = arith.constant -1.000000e+09 : f32
    %broadcast_in_dim3A_261 = vector.shape_cast %ge3A_258 : vector<64x1xi1> to vector<64x1xi1>
    %broadcast_in_dim3A_262 = vector.broadcast %broadcast_in_dim3A_261 : vector<64x1xi1> to vector<64x128xi1>
    %broadcast_in_dim3A_263 = vector.broadcast %jit3A_260 : f32 to vector<64x128xf32>
    %select_n3A_264 = arith.select %broadcast_in_dim3A_262, %broadcast_in_dim3A_263, %slice3A_259 : vector<64x128xi1>, vector<64x128xf32>
    %reduce_max3A_265 = arith.constant dense<0xFF800000> : vector<128xf32>
    %reduce_max3A_266 = vector.multi_reduction <maximumf>, %select_n3A_264, %reduce_max3A_265 [0] : vector<64x128xf32> to vector<128xf32>
    %broadcast_in_dim3A_267 = vector.shape_cast %reduce_max3A_266 : vector<128xf32> to vector<1x128xf32>
    %sub3A_268 = vector.broadcast %broadcast_in_dim3A_267 : vector<1x128xf32> to vector<64x128xf32>
    %sub3A_269 = arith.subf %select_n3A_264, %sub3A_268 : vector<64x128xf32>
    %exp3A_270 = math.exp %sub3A_269 : vector<64x128xf32>
    %reduce_sum3A_271 = arith.constant dense<0.000000e+00> : vector<128xf32>
    %reduce_sum3A_272 = vector.multi_reduction <add>, %exp3A_270, %reduce_sum3A_271 [0] : vector<64x128xf32> to vector<128xf32>
    %broadcast_in_dim3A_273 = vector.shape_cast %reduce_sum3A_272 : vector<128xf32> to vector<1x128xf32>
    %div3A_274 = vector.broadcast %broadcast_in_dim3A_273 : vector<1x128xf32> to vector<64x128xf32>
    %div3A_275 = arith.divf %exp3A_270, %div3A_274 : vector<64x128xf32>
    %dot_general3A_276 = arith.constant dense<0.000000e+00> : vector<128x128xf32>
    %dot_general3A_277 = tpu.matmul %div3A_275, %slice3A_254, %dot_general3A_276 {dimension_numbers = #tpu.dot_dimension_numbers<[0], [0], [1], [1], [0, 1, 1, 1], [], []>, transpose_lhs_hint = false} : vector<64x128xf32>, vector<64x128xf32>, vector<128x128xf32> -> vector<128x128xf32>
    %mul3A_278 = arith.constant 16 : i32
    %mul3A_279 = arith.muli %arg0, %mul3A_278 : i32
    %add3A_280 = arith.constant 9 : i32
    %add3A_281 = arith.addi %mul3A_279, %add3A_280 : i32
    %slice3A_282 = vector.extract_strided_slice %tanh3A {offsets = [576, 0], sizes = [64, 128], strides = [1, 1]} : vector<1024x128xf32> to vector<64x128xf32>
    %get3A_283 = arith.index_cast %add3A_281 : i32 to index
    %get3A_284 = memref.load %arg1[%get3A_283] : memref<32xi32, #tpu.memory_space<smem>>
    %ge3A_285 = vector.broadcast %get3A_284 : i32 to vector<64x1xi32>
    %ge3A_286 = arith.cmpi sge, %iota3A, %ge3A_285 : vector<64x1xi32>
    %slice3A_287 = vector.extract_strided_slice %add3A_35 {offsets = [576, 0], sizes = [64, 128], strides = [1, 1]} : vector<1024x128xf32> to vector<64x128xf32>
    %jit3A_288 = arith.constant -1.000000e+09 : f32
    %broadcast_in_dim3A_289 = vector.shape_cast %ge3A_286 : vector<64x1xi1> to vector<64x1xi1>
    %broadcast_in_dim3A_290 = vector.broadcast %broadcast_in_dim3A_289 : vector<64x1xi1> to vector<64x128xi1>
    %broadcast_in_dim3A_291 = vector.broadcast %jit3A_288 : f32 to vector<64x128xf32>
    %select_n3A_292 = arith.select %broadcast_in_dim3A_290, %broadcast_in_dim3A_291, %slice3A_287 : vector<64x128xi1>, vector<64x128xf32>
    %reduce_max3A_293 = arith.constant dense<0xFF800000> : vector<128xf32>
    %reduce_max3A_294 = vector.multi_reduction <maximumf>, %select_n3A_292, %reduce_max3A_293 [0] : vector<64x128xf32> to vector<128xf32>
    %broadcast_in_dim3A_295 = vector.shape_cast %reduce_max3A_294 : vector<128xf32> to vector<1x128xf32>
    %sub3A_296 = vector.broadcast %broadcast_in_dim3A_295 : vector<1x128xf32> to vector<64x128xf32>
    %sub3A_297 = arith.subf %select_n3A_292, %sub3A_296 : vector<64x128xf32>
    %exp3A_298 = math.exp %sub3A_297 : vector<64x128xf32>
    %reduce_sum3A_299 = arith.constant dense<0.000000e+00> : vector<128xf32>
    %reduce_sum3A_300 = vector.multi_reduction <add>, %exp3A_298, %reduce_sum3A_299 [0] : vector<64x128xf32> to vector<128xf32>
    %broadcast_in_dim3A_301 = vector.shape_cast %reduce_sum3A_300 : vector<128xf32> to vector<1x128xf32>
    %div3A_302 = vector.broadcast %broadcast_in_dim3A_301 : vector<1x128xf32> to vector<64x128xf32>
    %div3A_303 = arith.divf %exp3A_298, %div3A_302 : vector<64x128xf32>
    %dot_general3A_304 = arith.constant dense<0.000000e+00> : vector<128x128xf32>
    %dot_general3A_305 = tpu.matmul %div3A_303, %slice3A_282, %dot_general3A_304 {dimension_numbers = #tpu.dot_dimension_numbers<[0], [0], [1], [1], [0, 1, 1, 1], [], []>, transpose_lhs_hint = false} : vector<64x128xf32>, vector<64x128xf32>, vector<128x128xf32> -> vector<128x128xf32>
    %mul3A_306 = arith.constant 16 : i32
    %mul3A_307 = arith.muli %arg0, %mul3A_306 : i32
    %add3A_308 = arith.constant 10 : i32
    %add3A_309 = arith.addi %mul3A_307, %add3A_308 : i32
    %slice3A_310 = vector.extract_strided_slice %tanh3A {offsets = [640, 0], sizes = [64, 128], strides = [1, 1]} : vector<1024x128xf32> to vector<64x128xf32>
    %get3A_311 = arith.index_cast %add3A_309 : i32 to index
    %get3A_312 = memref.load %arg1[%get3A_311] : memref<32xi32, #tpu.memory_space<smem>>
    %ge3A_313 = vector.broadcast %get3A_312 : i32 to vector<64x1xi32>
    %ge3A_314 = arith.cmpi sge, %iota3A, %ge3A_313 : vector<64x1xi32>
    %slice3A_315 = vector.extract_strided_slice %add3A_35 {offsets = [640, 0], sizes = [64, 128], strides = [1, 1]} : vector<1024x128xf32> to vector<64x128xf32>
    %jit3A_316 = arith.constant -1.000000e+09 : f32
    %broadcast_in_dim3A_317 = vector.shape_cast %ge3A_314 : vector<64x1xi1> to vector<64x1xi1>
    %broadcast_in_dim3A_318 = vector.broadcast %broadcast_in_dim3A_317 : vector<64x1xi1> to vector<64x128xi1>
    %broadcast_in_dim3A_319 = vector.broadcast %jit3A_316 : f32 to vector<64x128xf32>
    %select_n3A_320 = arith.select %broadcast_in_dim3A_318, %broadcast_in_dim3A_319, %slice3A_315 : vector<64x128xi1>, vector<64x128xf32>
    %reduce_max3A_321 = arith.constant dense<0xFF800000> : vector<128xf32>
    %reduce_max3A_322 = vector.multi_reduction <maximumf>, %select_n3A_320, %reduce_max3A_321 [0] : vector<64x128xf32> to vector<128xf32>
    %broadcast_in_dim3A_323 = vector.shape_cast %reduce_max3A_322 : vector<128xf32> to vector<1x128xf32>
    %sub3A_324 = vector.broadcast %broadcast_in_dim3A_323 : vector<1x128xf32> to vector<64x128xf32>
    %sub3A_325 = arith.subf %select_n3A_320, %sub3A_324 : vector<64x128xf32>
    %exp3A_326 = math.exp %sub3A_325 : vector<64x128xf32>
    %reduce_sum3A_327 = arith.constant dense<0.000000e+00> : vector<128xf32>
    %reduce_sum3A_328 = vector.multi_reduction <add>, %exp3A_326, %reduce_sum3A_327 [0] : vector<64x128xf32> to vector<128xf32>
    %broadcast_in_dim3A_329 = vector.shape_cast %reduce_sum3A_328 : vector<128xf32> to vector<1x128xf32>
    %div3A_330 = vector.broadcast %broadcast_in_dim3A_329 : vector<1x128xf32> to vector<64x128xf32>
    %div3A_331 = arith.divf %exp3A_326, %div3A_330 : vector<64x128xf32>
    %dot_general3A_332 = arith.constant dense<0.000000e+00> : vector<128x128xf32>
    %dot_general3A_333 = tpu.matmul %div3A_331, %slice3A_310, %dot_general3A_332 {dimension_numbers = #tpu.dot_dimension_numbers<[0], [0], [1], [1], [0, 1, 1, 1], [], []>, transpose_lhs_hint = false} : vector<64x128xf32>, vector<64x128xf32>, vector<128x128xf32> -> vector<128x128xf32>
    %mul3A_334 = arith.constant 16 : i32
    %mul3A_335 = arith.muli %arg0, %mul3A_334 : i32
    %add3A_336 = arith.constant 11 : i32
    %add3A_337 = arith.addi %mul3A_335, %add3A_336 : i32
    %slice3A_338 = vector.extract_strided_slice %tanh3A {offsets = [704, 0], sizes = [64, 128], strides = [1, 1]} : vector<1024x128xf32> to vector<64x128xf32>
    %get3A_339 = arith.index_cast %add3A_337 : i32 to index
    %get3A_340 = memref.load %arg1[%get3A_339] : memref<32xi32, #tpu.memory_space<smem>>
    %ge3A_341 = vector.broadcast %get3A_340 : i32 to vector<64x1xi32>
    %ge3A_342 = arith.cmpi sge, %iota3A, %ge3A_341 : vector<64x1xi32>
    %slice3A_343 = vector.extract_strided_slice %add3A_35 {offsets = [704, 0], sizes = [64, 128], strides = [1, 1]} : vector<1024x128xf32> to vector<64x128xf32>
    %jit3A_344 = arith.constant -1.000000e+09 : f32
    %broadcast_in_dim3A_345 = vector.shape_cast %ge3A_342 : vector<64x1xi1> to vector<64x1xi1>
    %broadcast_in_dim3A_346 = vector.broadcast %broadcast_in_dim3A_345 : vector<64x1xi1> to vector<64x128xi1>
    %broadcast_in_dim3A_347 = vector.broadcast %jit3A_344 : f32 to vector<64x128xf32>
    %select_n3A_348 = arith.select %broadcast_in_dim3A_346, %broadcast_in_dim3A_347, %slice3A_343 : vector<64x128xi1>, vector<64x128xf32>
    %reduce_max3A_349 = arith.constant dense<0xFF800000> : vector<128xf32>
    %reduce_max3A_350 = vector.multi_reduction <maximumf>, %select_n3A_348, %reduce_max3A_349 [0] : vector<64x128xf32> to vector<128xf32>
    %broadcast_in_dim3A_351 = vector.shape_cast %reduce_max3A_350 : vector<128xf32> to vector<1x128xf32>
    %sub3A_352 = vector.broadcast %broadcast_in_dim3A_351 : vector<1x128xf32> to vector<64x128xf32>
    %sub3A_353 = arith.subf %select_n3A_348, %sub3A_352 : vector<64x128xf32>
    %exp3A_354 = math.exp %sub3A_353 : vector<64x128xf32>
    %reduce_sum3A_355 = arith.constant dense<0.000000e+00> : vector<128xf32>
    %reduce_sum3A_356 = vector.multi_reduction <add>, %exp3A_354, %reduce_sum3A_355 [0] : vector<64x128xf32> to vector<128xf32>
    %broadcast_in_dim3A_357 = vector.shape_cast %reduce_sum3A_356 : vector<128xf32> to vector<1x128xf32>
    %div3A_358 = vector.broadcast %broadcast_in_dim3A_357 : vector<1x128xf32> to vector<64x128xf32>
    %div3A_359 = arith.divf %exp3A_354, %div3A_358 : vector<64x128xf32>
    %dot_general3A_360 = arith.constant dense<0.000000e+00> : vector<128x128xf32>
    %dot_general3A_361 = tpu.matmul %div3A_359, %slice3A_338, %dot_general3A_360 {dimension_numbers = #tpu.dot_dimension_numbers<[0], [0], [1], [1], [0, 1, 1, 1], [], []>, transpose_lhs_hint = false} : vector<64x128xf32>, vector<64x128xf32>, vector<128x128xf32> -> vector<128x128xf32>
    %mul3A_362 = arith.constant 16 : i32
    %mul3A_363 = arith.muli %arg0, %mul3A_362 : i32
    %add3A_364 = arith.constant 12 : i32
    %add3A_365 = arith.addi %mul3A_363, %add3A_364 : i32
    %slice3A_366 = vector.extract_strided_slice %tanh3A {offsets = [768, 0], sizes = [64, 128], strides = [1, 1]} : vector<1024x128xf32> to vector<64x128xf32>
    %get3A_367 = arith.index_cast %add3A_365 : i32 to index
    %get3A_368 = memref.load %arg1[%get3A_367] : memref<32xi32, #tpu.memory_space<smem>>
    %ge3A_369 = vector.broadcast %get3A_368 : i32 to vector<64x1xi32>
    %ge3A_370 = arith.cmpi sge, %iota3A, %ge3A_369 : vector<64x1xi32>
    %slice3A_371 = vector.extract_strided_slice %add3A_35 {offsets = [768, 0], sizes = [64, 128], strides = [1, 1]} : vector<1024x128xf32> to vector<64x128xf32>
    %jit3A_372 = arith.constant -1.000000e+09 : f32
    %broadcast_in_dim3A_373 = vector.shape_cast %ge3A_370 : vector<64x1xi1> to vector<64x1xi1>
    %broadcast_in_dim3A_374 = vector.broadcast %broadcast_in_dim3A_373 : vector<64x1xi1> to vector<64x128xi1>
    %broadcast_in_dim3A_375 = vector.broadcast %jit3A_372 : f32 to vector<64x128xf32>
    %select_n3A_376 = arith.select %broadcast_in_dim3A_374, %broadcast_in_dim3A_375, %slice3A_371 : vector<64x128xi1>, vector<64x128xf32>
    %reduce_max3A_377 = arith.constant dense<0xFF800000> : vector<128xf32>
    %reduce_max3A_378 = vector.multi_reduction <maximumf>, %select_n3A_376, %reduce_max3A_377 [0] : vector<64x128xf32> to vector<128xf32>
    %broadcast_in_dim3A_379 = vector.shape_cast %reduce_max3A_378 : vector<128xf32> to vector<1x128xf32>
    %sub3A_380 = vector.broadcast %broadcast_in_dim3A_379 : vector<1x128xf32> to vector<64x128xf32>
    %sub3A_381 = arith.subf %select_n3A_376, %sub3A_380 : vector<64x128xf32>
    %exp3A_382 = math.exp %sub3A_381 : vector<64x128xf32>
    %reduce_sum3A_383 = arith.constant dense<0.000000e+00> : vector<128xf32>
    %reduce_sum3A_384 = vector.multi_reduction <add>, %exp3A_382, %reduce_sum3A_383 [0] : vector<64x128xf32> to vector<128xf32>
    %broadcast_in_dim3A_385 = vector.shape_cast %reduce_sum3A_384 : vector<128xf32> to vector<1x128xf32>
    %div3A_386 = vector.broadcast %broadcast_in_dim3A_385 : vector<1x128xf32> to vector<64x128xf32>
    %div3A_387 = arith.divf %exp3A_382, %div3A_386 : vector<64x128xf32>
    %dot_general3A_388 = arith.constant dense<0.000000e+00> : vector<128x128xf32>
    %dot_general3A_389 = tpu.matmul %div3A_387, %slice3A_366, %dot_general3A_388 {dimension_numbers = #tpu.dot_dimension_numbers<[0], [0], [1], [1], [0, 1, 1, 1], [], []>, transpose_lhs_hint = false} : vector<64x128xf32>, vector<64x128xf32>, vector<128x128xf32> -> vector<128x128xf32>
    %mul3A_390 = arith.constant 16 : i32
    %mul3A_391 = arith.muli %arg0, %mul3A_390 : i32
    %add3A_392 = arith.constant 13 : i32
    %add3A_393 = arith.addi %mul3A_391, %add3A_392 : i32
    %slice3A_394 = vector.extract_strided_slice %tanh3A {offsets = [832, 0], sizes = [64, 128], strides = [1, 1]} : vector<1024x128xf32> to vector<64x128xf32>
    %get3A_395 = arith.index_cast %add3A_393 : i32 to index
    %get3A_396 = memref.load %arg1[%get3A_395] : memref<32xi32, #tpu.memory_space<smem>>
    %ge3A_397 = vector.broadcast %get3A_396 : i32 to vector<64x1xi32>
    %ge3A_398 = arith.cmpi sge, %iota3A, %ge3A_397 : vector<64x1xi32>
    %slice3A_399 = vector.extract_strided_slice %add3A_35 {offsets = [832, 0], sizes = [64, 128], strides = [1, 1]} : vector<1024x128xf32> to vector<64x128xf32>
    %jit3A_400 = arith.constant -1.000000e+09 : f32
    %broadcast_in_dim3A_401 = vector.shape_cast %ge3A_398 : vector<64x1xi1> to vector<64x1xi1>
    %broadcast_in_dim3A_402 = vector.broadcast %broadcast_in_dim3A_401 : vector<64x1xi1> to vector<64x128xi1>
    %broadcast_in_dim3A_403 = vector.broadcast %jit3A_400 : f32 to vector<64x128xf32>
    %select_n3A_404 = arith.select %broadcast_in_dim3A_402, %broadcast_in_dim3A_403, %slice3A_399 : vector<64x128xi1>, vector<64x128xf32>
    %reduce_max3A_405 = arith.constant dense<0xFF800000> : vector<128xf32>
    %reduce_max3A_406 = vector.multi_reduction <maximumf>, %select_n3A_404, %reduce_max3A_405 [0] : vector<64x128xf32> to vector<128xf32>
    %broadcast_in_dim3A_407 = vector.shape_cast %reduce_max3A_406 : vector<128xf32> to vector<1x128xf32>
    %sub3A_408 = vector.broadcast %broadcast_in_dim3A_407 : vector<1x128xf32> to vector<64x128xf32>
    %sub3A_409 = arith.subf %select_n3A_404, %sub3A_408 : vector<64x128xf32>
    %exp3A_410 = math.exp %sub3A_409 : vector<64x128xf32>
    %reduce_sum3A_411 = arith.constant dense<0.000000e+00> : vector<128xf32>
    %reduce_sum3A_412 = vector.multi_reduction <add>, %exp3A_410, %reduce_sum3A_411 [0] : vector<64x128xf32> to vector<128xf32>
    %broadcast_in_dim3A_413 = vector.shape_cast %reduce_sum3A_412 : vector<128xf32> to vector<1x128xf32>
    %div3A_414 = vector.broadcast %broadcast_in_dim3A_413 : vector<1x128xf32> to vector<64x128xf32>
    %div3A_415 = arith.divf %exp3A_410, %div3A_414 : vector<64x128xf32>
    %dot_general3A_416 = arith.constant dense<0.000000e+00> : vector<128x128xf32>
    %dot_general3A_417 = tpu.matmul %div3A_415, %slice3A_394, %dot_general3A_416 {dimension_numbers = #tpu.dot_dimension_numbers<[0], [0], [1], [1], [0, 1, 1, 1], [], []>, transpose_lhs_hint = false} : vector<64x128xf32>, vector<64x128xf32>, vector<128x128xf32> -> vector<128x128xf32>
    %mul3A_418 = arith.constant 16 : i32
    %mul3A_419 = arith.muli %arg0, %mul3A_418 : i32
    %add3A_420 = arith.constant 14 : i32
    %add3A_421 = arith.addi %mul3A_419, %add3A_420 : i32
    %slice3A_422 = vector.extract_strided_slice %tanh3A {offsets = [896, 0], sizes = [64, 128], strides = [1, 1]} : vector<1024x128xf32> to vector<64x128xf32>
    %get3A_423 = arith.index_cast %add3A_421 : i32 to index
    %get3A_424 = memref.load %arg1[%get3A_423] : memref<32xi32, #tpu.memory_space<smem>>
    %ge3A_425 = vector.broadcast %get3A_424 : i32 to vector<64x1xi32>
    %ge3A_426 = arith.cmpi sge, %iota3A, %ge3A_425 : vector<64x1xi32>
    %slice3A_427 = vector.extract_strided_slice %add3A_35 {offsets = [896, 0], sizes = [64, 128], strides = [1, 1]} : vector<1024x128xf32> to vector<64x128xf32>
    %jit3A_428 = arith.constant -1.000000e+09 : f32
    %broadcast_in_dim3A_429 = vector.shape_cast %ge3A_426 : vector<64x1xi1> to vector<64x1xi1>
    %broadcast_in_dim3A_430 = vector.broadcast %broadcast_in_dim3A_429 : vector<64x1xi1> to vector<64x128xi1>
    %broadcast_in_dim3A_431 = vector.broadcast %jit3A_428 : f32 to vector<64x128xf32>
    %select_n3A_432 = arith.select %broadcast_in_dim3A_430, %broadcast_in_dim3A_431, %slice3A_427 : vector<64x128xi1>, vector<64x128xf32>
    %reduce_max3A_433 = arith.constant dense<0xFF800000> : vector<128xf32>
    %reduce_max3A_434 = vector.multi_reduction <maximumf>, %select_n3A_432, %reduce_max3A_433 [0] : vector<64x128xf32> to vector<128xf32>
    %broadcast_in_dim3A_435 = vector.shape_cast %reduce_max3A_434 : vector<128xf32> to vector<1x128xf32>
    %sub3A_436 = vector.broadcast %broadcast_in_dim3A_435 : vector<1x128xf32> to vector<64x128xf32>
    %sub3A_437 = arith.subf %select_n3A_432, %sub3A_436 : vector<64x128xf32>
    %exp3A_438 = math.exp %sub3A_437 : vector<64x128xf32>
    %reduce_sum3A_439 = arith.constant dense<0.000000e+00> : vector<128xf32>
    %reduce_sum3A_440 = vector.multi_reduction <add>, %exp3A_438, %reduce_sum3A_439 [0] : vector<64x128xf32> to vector<128xf32>
    %broadcast_in_dim3A_441 = vector.shape_cast %reduce_sum3A_440 : vector<128xf32> to vector<1x128xf32>
    %div3A_442 = vector.broadcast %broadcast_in_dim3A_441 : vector<1x128xf32> to vector<64x128xf32>
    %div3A_443 = arith.divf %exp3A_438, %div3A_442 : vector<64x128xf32>
    %dot_general3A_444 = arith.constant dense<0.000000e+00> : vector<128x128xf32>
    %dot_general3A_445 = tpu.matmul %div3A_443, %slice3A_422, %dot_general3A_444 {dimension_numbers = #tpu.dot_dimension_numbers<[0], [0], [1], [1], [0, 1, 1, 1], [], []>, transpose_lhs_hint = false} : vector<64x128xf32>, vector<64x128xf32>, vector<128x128xf32> -> vector<128x128xf32>
    %mul3A_446 = arith.constant 16 : i32
    %mul3A_447 = arith.muli %arg0, %mul3A_446 : i32
    %add3A_448 = arith.constant 15 : i32
    %add3A_449 = arith.addi %mul3A_447, %add3A_448 : i32
    %slice3A_450 = vector.extract_strided_slice %tanh3A {offsets = [960, 0], sizes = [64, 128], strides = [1, 1]} : vector<1024x128xf32> to vector<64x128xf32>
    %get3A_451 = arith.index_cast %add3A_449 : i32 to index
    %get3A_452 = memref.load %arg1[%get3A_451] : memref<32xi32, #tpu.memory_space<smem>>
    %ge3A_453 = vector.broadcast %get3A_452 : i32 to vector<64x1xi32>
    %ge3A_454 = arith.cmpi sge, %iota3A, %ge3A_453 : vector<64x1xi32>
    %slice3A_455 = vector.extract_strided_slice %add3A_35 {offsets = [960, 0], sizes = [64, 128], strides = [1, 1]} : vector<1024x128xf32> to vector<64x128xf32>
    %jit3A_456 = arith.constant -1.000000e+09 : f32
    %broadcast_in_dim3A_457 = vector.shape_cast %ge3A_454 : vector<64x1xi1> to vector<64x1xi1>
    %broadcast_in_dim3A_458 = vector.broadcast %broadcast_in_dim3A_457 : vector<64x1xi1> to vector<64x128xi1>
    %broadcast_in_dim3A_459 = vector.broadcast %jit3A_456 : f32 to vector<64x128xf32>
    %select_n3A_460 = arith.select %broadcast_in_dim3A_458, %broadcast_in_dim3A_459, %slice3A_455 : vector<64x128xi1>, vector<64x128xf32>
    %reduce_max3A_461 = arith.constant dense<0xFF800000> : vector<128xf32>
    %reduce_max3A_462 = vector.multi_reduction <maximumf>, %select_n3A_460, %reduce_max3A_461 [0] : vector<64x128xf32> to vector<128xf32>
    %broadcast_in_dim3A_463 = vector.shape_cast %reduce_max3A_462 : vector<128xf32> to vector<1x128xf32>
    %sub3A_464 = vector.broadcast %broadcast_in_dim3A_463 : vector<1x128xf32> to vector<64x128xf32>
    %sub3A_465 = arith.subf %select_n3A_460, %sub3A_464 : vector<64x128xf32>
    %exp3A_466 = math.exp %sub3A_465 : vector<64x128xf32>
    %reduce_sum3A_467 = arith.constant dense<0.000000e+00> : vector<128xf32>
    %reduce_sum3A_468 = vector.multi_reduction <add>, %exp3A_466, %reduce_sum3A_467 [0] : vector<64x128xf32> to vector<128xf32>
    %broadcast_in_dim3A_469 = vector.shape_cast %reduce_sum3A_468 : vector<128xf32> to vector<1x128xf32>
    %div3A_470 = vector.broadcast %broadcast_in_dim3A_469 : vector<1x128xf32> to vector<64x128xf32>
    %div3A_471 = arith.divf %exp3A_466, %div3A_470 : vector<64x128xf32>
    %dot_general3A_472 = arith.constant dense<0.000000e+00> : vector<128x128xf32>
    %dot_general3A_473 = tpu.matmul %div3A_471, %slice3A_450, %dot_general3A_472 {dimension_numbers = #tpu.dot_dimension_numbers<[0], [0], [1], [1], [0, 1, 1, 1], [], []>, transpose_lhs_hint = false} : vector<64x128xf32>, vector<64x128xf32>, vector<128x128xf32> -> vector<128x128xf32>
    %concatenate3A = tpu.concatenate %dot_general3A_53, %dot_general3A_81, %dot_general3A_109, %dot_general3A_137, %dot_general3A_165, %dot_general3A_193, %dot_general3A_221, %dot_general3A_249, %dot_general3A_277, %dot_general3A_305, %dot_general3A_333, %dot_general3A_361, %dot_general3A_389, %dot_general3A_417, %dot_general3A_445, %dot_general3A_473 in 0 : vector<128x128xf32>, vector<128x128xf32>, vector<128x128xf32>, vector<128x128xf32>, vector<128x128xf32>, vector<128x128xf32>, vector<128x128xf32>, vector<128x128xf32>, vector<128x128xf32>, vector<128x128xf32>, vector<128x128xf32>, vector<128x128xf32>, vector<128x128xf32>, vector<128x128xf32>, vector<128x128xf32>, vector<128x128xf32> -> vector<2048x128xf32>
    %get3A_474 = arith.constant 0 : index
    %get3A_475 = arith.constant 0 : index
    %get3A_476 = vector.load %arg8[%get3A_474, %get3A_475] : memref<16x256xf32, #tpu.memory_space<vmem>>, vector<16x256xf32>
    %slice3A_477 = vector.extract_strided_slice %get3A_13 {offsets = [0, 0], sizes = [256, 256], strides = [1, 1]} : vector<384x256xf32> to vector<256x256xf32>
    %dot_general3A_478 = arith.constant dense<0.000000e+00> : vector<16x256xf32>
    %dot_general3A_479 = tpu.matmul %get3A_476, %slice3A_477, %dot_general3A_478 {dimension_numbers = #tpu.dot_dimension_numbers<[1], [0], [0], [1], [0, 0, 1, 1], [], []>, transpose_lhs_hint = false} : vector<16x256xf32>, vector<256x256xf32>, vector<16x256xf32> -> vector<16x256xf32>
    %slice3A_480 = vector.extract_strided_slice %get3A_13 {offsets = [256, 0], sizes = [128, 256], strides = [1, 1]} : vector<384x256xf32> to vector<128x256xf32>
    %dot_general3A_481 = arith.constant dense<0.000000e+00> : vector<2048x256xf32>
    %dot_general3A_482 = tpu.matmul %concatenate3A, %slice3A_480, %dot_general3A_481 {dimension_numbers = #tpu.dot_dimension_numbers<[1], [0], [0], [1], [0, 0, 1, 1], [], []>, transpose_lhs_hint = false} : vector<2048x128xf32>, vector<128x256xf32>, vector<2048x256xf32> -> vector<2048x256xf32>
    %slice3A_483 = vector.extract_strided_slice %dot_general3A_482 {offsets = [0, 0], sizes = [128, 256], strides = [1, 1]} : vector<2048x256xf32> to vector<128x256xf32>
    %slice3A_484 = vector.extract_strided_slice %dot_general3A_479 {offsets = [0, 0], sizes = [1, 256], strides = [1, 1]} : vector<16x256xf32> to vector<1x256xf32>
    %add3A_485 = vector.broadcast %slice3A_484 : vector<1x256xf32> to vector<128x256xf32>
    %add3A_486 = arith.addf %slice3A_483, %add3A_485 : vector<128x256xf32>
    %add3A_487 = vector.broadcast %get3A_19 : vector<1x256xf32> to vector<128x256xf32>
    %add3A_488 = arith.addf %add3A_486, %add3A_487 : vector<128x256xf32>
    %max3A = arith.constant 0.000000e+00 : f32
    %max3A_489 = vector.broadcast %max3A : f32 to vector<128x256xf32>
    %max3A_490 = arith.maximumf %add3A_488, %max3A_489 : vector<128x256xf32>
    %slice3A_491 = vector.extract_strided_slice %dot_general3A_482 {offsets = [128, 0], sizes = [128, 256], strides = [1, 1]} : vector<2048x256xf32> to vector<128x256xf32>
    %slice3A_492 = vector.extract_strided_slice %dot_general3A_479 {offsets = [1, 0], sizes = [1, 256], strides = [1, 1]} : vector<16x256xf32> to vector<1x256xf32>
    %add3A_493 = vector.broadcast %slice3A_492 : vector<1x256xf32> to vector<128x256xf32>
    %add3A_494 = arith.addf %slice3A_491, %add3A_493 : vector<128x256xf32>
    %add3A_495 = vector.broadcast %get3A_19 : vector<1x256xf32> to vector<128x256xf32>
    %add3A_496 = arith.addf %add3A_494, %add3A_495 : vector<128x256xf32>
    %max3A_497 = arith.constant 0.000000e+00 : f32
    %max3A_498 = vector.broadcast %max3A_497 : f32 to vector<128x256xf32>
    %max3A_499 = arith.maximumf %add3A_496, %max3A_498 : vector<128x256xf32>
    %slice3A_500 = vector.extract_strided_slice %dot_general3A_482 {offsets = [256, 0], sizes = [128, 256], strides = [1, 1]} : vector<2048x256xf32> to vector<128x256xf32>
    %slice3A_501 = vector.extract_strided_slice %dot_general3A_479 {offsets = [2, 0], sizes = [1, 256], strides = [1, 1]} : vector<16x256xf32> to vector<1x256xf32>
    %add3A_502 = vector.broadcast %slice3A_501 : vector<1x256xf32> to vector<128x256xf32>
    %add3A_503 = arith.addf %slice3A_500, %add3A_502 : vector<128x256xf32>
    %add3A_504 = vector.broadcast %get3A_19 : vector<1x256xf32> to vector<128x256xf32>
    %add3A_505 = arith.addf %add3A_503, %add3A_504 : vector<128x256xf32>
    %max3A_506 = arith.constant 0.000000e+00 : f32
    %max3A_507 = vector.broadcast %max3A_506 : f32 to vector<128x256xf32>
    %max3A_508 = arith.maximumf %add3A_505, %max3A_507 : vector<128x256xf32>
    %slice3A_509 = vector.extract_strided_slice %dot_general3A_482 {offsets = [384, 0], sizes = [128, 256], strides = [1, 1]} : vector<2048x256xf32> to vector<128x256xf32>
    %slice3A_510 = vector.extract_strided_slice %dot_general3A_479 {offsets = [3, 0], sizes = [1, 256], strides = [1, 1]} : vector<16x256xf32> to vector<1x256xf32>
    %add3A_511 = vector.broadcast %slice3A_510 : vector<1x256xf32> to vector<128x256xf32>
    %add3A_512 = arith.addf %slice3A_509, %add3A_511 : vector<128x256xf32>
    %add3A_513 = vector.broadcast %get3A_19 : vector<1x256xf32> to vector<128x256xf32>
    %add3A_514 = arith.addf %add3A_512, %add3A_513 : vector<128x256xf32>
    %max3A_515 = arith.constant 0.000000e+00 : f32
    %max3A_516 = vector.broadcast %max3A_515 : f32 to vector<128x256xf32>
    %max3A_517 = arith.maximumf %add3A_514, %max3A_516 : vector<128x256xf32>
    %slice3A_518 = vector.extract_strided_slice %dot_general3A_482 {offsets = [512, 0], sizes = [128, 256], strides = [1, 1]} : vector<2048x256xf32> to vector<128x256xf32>
    %slice3A_519 = vector.extract_strided_slice %dot_general3A_479 {offsets = [4, 0], sizes = [1, 256], strides = [1, 1]} : vector<16x256xf32> to vector<1x256xf32>
    %add3A_520 = vector.broadcast %slice3A_519 : vector<1x256xf32> to vector<128x256xf32>
    %add3A_521 = arith.addf %slice3A_518, %add3A_520 : vector<128x256xf32>
    %add3A_522 = vector.broadcast %get3A_19 : vector<1x256xf32> to vector<128x256xf32>
    %add3A_523 = arith.addf %add3A_521, %add3A_522 : vector<128x256xf32>
    %max3A_524 = arith.constant 0.000000e+00 : f32
    %max3A_525 = vector.broadcast %max3A_524 : f32 to vector<128x256xf32>
    %max3A_526 = arith.maximumf %add3A_523, %max3A_525 : vector<128x256xf32>
    %slice3A_527 = vector.extract_strided_slice %dot_general3A_482 {offsets = [640, 0], sizes = [128, 256], strides = [1, 1]} : vector<2048x256xf32> to vector<128x256xf32>
    %slice3A_528 = vector.extract_strided_slice %dot_general3A_479 {offsets = [5, 0], sizes = [1, 256], strides = [1, 1]} : vector<16x256xf32> to vector<1x256xf32>
    %add3A_529 = vector.broadcast %slice3A_528 : vector<1x256xf32> to vector<128x256xf32>
    %add3A_530 = arith.addf %slice3A_527, %add3A_529 : vector<128x256xf32>
    %add3A_531 = vector.broadcast %get3A_19 : vector<1x256xf32> to vector<128x256xf32>
    %add3A_532 = arith.addf %add3A_530, %add3A_531 : vector<128x256xf32>
    %max3A_533 = arith.constant 0.000000e+00 : f32
    %max3A_534 = vector.broadcast %max3A_533 : f32 to vector<128x256xf32>
    %max3A_535 = arith.maximumf %add3A_532, %max3A_534 : vector<128x256xf32>
    %slice3A_536 = vector.extract_strided_slice %dot_general3A_482 {offsets = [768, 0], sizes = [128, 256], strides = [1, 1]} : vector<2048x256xf32> to vector<128x256xf32>
    %slice3A_537 = vector.extract_strided_slice %dot_general3A_479 {offsets = [6, 0], sizes = [1, 256], strides = [1, 1]} : vector<16x256xf32> to vector<1x256xf32>
    %add3A_538 = vector.broadcast %slice3A_537 : vector<1x256xf32> to vector<128x256xf32>
    %add3A_539 = arith.addf %slice3A_536, %add3A_538 : vector<128x256xf32>
    %add3A_540 = vector.broadcast %get3A_19 : vector<1x256xf32> to vector<128x256xf32>
    %add3A_541 = arith.addf %add3A_539, %add3A_540 : vector<128x256xf32>
    %max3A_542 = arith.constant 0.000000e+00 : f32
    %max3A_543 = vector.broadcast %max3A_542 : f32 to vector<128x256xf32>
    %max3A_544 = arith.maximumf %add3A_541, %max3A_543 : vector<128x256xf32>
    %slice3A_545 = vector.extract_strided_slice %dot_general3A_482 {offsets = [896, 0], sizes = [128, 256], strides = [1, 1]} : vector<2048x256xf32> to vector<128x256xf32>
    %slice3A_546 = vector.extract_strided_slice %dot_general3A_479 {offsets = [7, 0], sizes = [1, 256], strides = [1, 1]} : vector<16x256xf32> to vector<1x256xf32>
    %add3A_547 = vector.broadcast %slice3A_546 : vector<1x256xf32> to vector<128x256xf32>
    %add3A_548 = arith.addf %slice3A_545, %add3A_547 : vector<128x256xf32>
    %add3A_549 = vector.broadcast %get3A_19 : vector<1x256xf32> to vector<128x256xf32>
    %add3A_550 = arith.addf %add3A_548, %add3A_549 : vector<128x256xf32>
    %max3A_551 = arith.constant 0.000000e+00 : f32
    %max3A_552 = vector.broadcast %max3A_551 : f32 to vector<128x256xf32>
    %max3A_553 = arith.maximumf %add3A_550, %max3A_552 : vector<128x256xf32>
    %slice3A_554 = vector.extract_strided_slice %dot_general3A_482 {offsets = [1024, 0], sizes = [128, 256], strides = [1, 1]} : vector<2048x256xf32> to vector<128x256xf32>
    %slice3A_555 = vector.extract_strided_slice %dot_general3A_479 {offsets = [8, 0], sizes = [1, 256], strides = [1, 1]} : vector<16x256xf32> to vector<1x256xf32>
    %add3A_556 = vector.broadcast %slice3A_555 : vector<1x256xf32> to vector<128x256xf32>
    %add3A_557 = arith.addf %slice3A_554, %add3A_556 : vector<128x256xf32>
    %add3A_558 = vector.broadcast %get3A_19 : vector<1x256xf32> to vector<128x256xf32>
    %add3A_559 = arith.addf %add3A_557, %add3A_558 : vector<128x256xf32>
    %max3A_560 = arith.constant 0.000000e+00 : f32
    %max3A_561 = vector.broadcast %max3A_560 : f32 to vector<128x256xf32>
    %max3A_562 = arith.maximumf %add3A_559, %max3A_561 : vector<128x256xf32>
    %slice3A_563 = vector.extract_strided_slice %dot_general3A_482 {offsets = [1152, 0], sizes = [128, 256], strides = [1, 1]} : vector<2048x256xf32> to vector<128x256xf32>
    %slice3A_564 = vector.extract_strided_slice %dot_general3A_479 {offsets = [9, 0], sizes = [1, 256], strides = [1, 1]} : vector<16x256xf32> to vector<1x256xf32>
    %add3A_565 = vector.broadcast %slice3A_564 : vector<1x256xf32> to vector<128x256xf32>
    %add3A_566 = arith.addf %slice3A_563, %add3A_565 : vector<128x256xf32>
    %add3A_567 = vector.broadcast %get3A_19 : vector<1x256xf32> to vector<128x256xf32>
    %add3A_568 = arith.addf %add3A_566, %add3A_567 : vector<128x256xf32>
    %max3A_569 = arith.constant 0.000000e+00 : f32
    %max3A_570 = vector.broadcast %max3A_569 : f32 to vector<128x256xf32>
    %max3A_571 = arith.maximumf %add3A_568, %max3A_570 : vector<128x256xf32>
    %slice3A_572 = vector.extract_strided_slice %dot_general3A_482 {offsets = [1280, 0], sizes = [128, 256], strides = [1, 1]} : vector<2048x256xf32> to vector<128x256xf32>
    %slice3A_573 = vector.extract_strided_slice %dot_general3A_479 {offsets = [10, 0], sizes = [1, 256], strides = [1, 1]} : vector<16x256xf32> to vector<1x256xf32>
    %add3A_574 = vector.broadcast %slice3A_573 : vector<1x256xf32> to vector<128x256xf32>
    %add3A_575 = arith.addf %slice3A_572, %add3A_574 : vector<128x256xf32>
    %add3A_576 = vector.broadcast %get3A_19 : vector<1x256xf32> to vector<128x256xf32>
    %add3A_577 = arith.addf %add3A_575, %add3A_576 : vector<128x256xf32>
    %max3A_578 = arith.constant 0.000000e+00 : f32
    %max3A_579 = vector.broadcast %max3A_578 : f32 to vector<128x256xf32>
    %max3A_580 = arith.maximumf %add3A_577, %max3A_579 : vector<128x256xf32>
    %slice3A_581 = vector.extract_strided_slice %dot_general3A_482 {offsets = [1408, 0], sizes = [128, 256], strides = [1, 1]} : vector<2048x256xf32> to vector<128x256xf32>
    %slice3A_582 = vector.extract_strided_slice %dot_general3A_479 {offsets = [11, 0], sizes = [1, 256], strides = [1, 1]} : vector<16x256xf32> to vector<1x256xf32>
    %add3A_583 = vector.broadcast %slice3A_582 : vector<1x256xf32> to vector<128x256xf32>
    %add3A_584 = arith.addf %slice3A_581, %add3A_583 : vector<128x256xf32>
    %add3A_585 = vector.broadcast %get3A_19 : vector<1x256xf32> to vector<128x256xf32>
    %add3A_586 = arith.addf %add3A_584, %add3A_585 : vector<128x256xf32>
    %max3A_587 = arith.constant 0.000000e+00 : f32
    %max3A_588 = vector.broadcast %max3A_587 : f32 to vector<128x256xf32>
    %max3A_589 = arith.maximumf %add3A_586, %max3A_588 : vector<128x256xf32>
    %slice3A_590 = vector.extract_strided_slice %dot_general3A_482 {offsets = [1536, 0], sizes = [128, 256], strides = [1, 1]} : vector<2048x256xf32> to vector<128x256xf32>
    %slice3A_591 = vector.extract_strided_slice %dot_general3A_479 {offsets = [12, 0], sizes = [1, 256], strides = [1, 1]} : vector<16x256xf32> to vector<1x256xf32>
    %add3A_592 = vector.broadcast %slice3A_591 : vector<1x256xf32> to vector<128x256xf32>
    %add3A_593 = arith.addf %slice3A_590, %add3A_592 : vector<128x256xf32>
    %add3A_594 = vector.broadcast %get3A_19 : vector<1x256xf32> to vector<128x256xf32>
    %add3A_595 = arith.addf %add3A_593, %add3A_594 : vector<128x256xf32>
    %max3A_596 = arith.constant 0.000000e+00 : f32
    %max3A_597 = vector.broadcast %max3A_596 : f32 to vector<128x256xf32>
    %max3A_598 = arith.maximumf %add3A_595, %max3A_597 : vector<128x256xf32>
    %slice3A_599 = vector.extract_strided_slice %dot_general3A_482 {offsets = [1664, 0], sizes = [128, 256], strides = [1, 1]} : vector<2048x256xf32> to vector<128x256xf32>
    %slice3A_600 = vector.extract_strided_slice %dot_general3A_479 {offsets = [13, 0], sizes = [1, 256], strides = [1, 1]} : vector<16x256xf32> to vector<1x256xf32>
    %add3A_601 = vector.broadcast %slice3A_600 : vector<1x256xf32> to vector<128x256xf32>
    %add3A_602 = arith.addf %slice3A_599, %add3A_601 : vector<128x256xf32>
    %add3A_603 = vector.broadcast %get3A_19 : vector<1x256xf32> to vector<128x256xf32>
    %add3A_604 = arith.addf %add3A_602, %add3A_603 : vector<128x256xf32>
    %max3A_605 = arith.constant 0.000000e+00 : f32
    %max3A_606 = vector.broadcast %max3A_605 : f32 to vector<128x256xf32>
    %max3A_607 = arith.maximumf %add3A_604, %max3A_606 : vector<128x256xf32>
    %slice3A_608 = vector.extract_strided_slice %dot_general3A_482 {offsets = [1792, 0], sizes = [128, 256], strides = [1, 1]} : vector<2048x256xf32> to vector<128x256xf32>
    %slice3A_609 = vector.extract_strided_slice %dot_general3A_479 {offsets = [14, 0], sizes = [1, 256], strides = [1, 1]} : vector<16x256xf32> to vector<1x256xf32>
    %add3A_610 = vector.broadcast %slice3A_609 : vector<1x256xf32> to vector<128x256xf32>
    %add3A_611 = arith.addf %slice3A_608, %add3A_610 : vector<128x256xf32>
    %add3A_612 = vector.broadcast %get3A_19 : vector<1x256xf32> to vector<128x256xf32>
    %add3A_613 = arith.addf %add3A_611, %add3A_612 : vector<128x256xf32>
    %max3A_614 = arith.constant 0.000000e+00 : f32
    %max3A_615 = vector.broadcast %max3A_614 : f32 to vector<128x256xf32>
    %max3A_616 = arith.maximumf %add3A_613, %max3A_615 : vector<128x256xf32>
    %slice3A_617 = vector.extract_strided_slice %dot_general3A_482 {offsets = [1920, 0], sizes = [128, 256], strides = [1, 1]} : vector<2048x256xf32> to vector<128x256xf32>
    %slice3A_618 = vector.extract_strided_slice %dot_general3A_479 {offsets = [15, 0], sizes = [1, 256], strides = [1, 1]} : vector<16x256xf32> to vector<1x256xf32>
    %add3A_619 = vector.broadcast %slice3A_618 : vector<1x256xf32> to vector<128x256xf32>
    %add3A_620 = arith.addf %slice3A_617, %add3A_619 : vector<128x256xf32>
    %add3A_621 = vector.broadcast %get3A_19 : vector<1x256xf32> to vector<128x256xf32>
    %add3A_622 = arith.addf %add3A_620, %add3A_621 : vector<128x256xf32>
    %max3A_623 = arith.constant 0.000000e+00 : f32
    %max3A_624 = vector.broadcast %max3A_623 : f32 to vector<128x256xf32>
    %max3A_625 = arith.maximumf %add3A_622, %max3A_624 : vector<128x256xf32>
    %concatenate3A_626 = tpu.concatenate %max3A_490, %max3A_499, %max3A_508, %max3A_517, %max3A_526, %max3A_535, %max3A_544, %max3A_553, %max3A_562, %max3A_571, %max3A_580, %max3A_589, %max3A_598, %max3A_607, %max3A_616, %max3A_625 in 0 : vector<128x256xf32>, vector<128x256xf32>, vector<128x256xf32>, vector<128x256xf32>, vector<128x256xf32>, vector<128x256xf32>, vector<128x256xf32>, vector<128x256xf32>, vector<128x256xf32>, vector<128x256xf32>, vector<128x256xf32>, vector<128x256xf32>, vector<128x256xf32>, vector<128x256xf32>, vector<128x256xf32>, vector<128x256xf32> -> vector<2048x256xf32>
    %dot_general3A_627 = arith.constant dense<0.000000e+00> : vector<2048x256xf32>
    %dot_general3A_628 = tpu.matmul %concatenate3A_626, %get3A_16, %dot_general3A_627 {dimension_numbers = #tpu.dot_dimension_numbers<[1], [0], [0], [1], [0, 0, 1, 1], [], []>, transpose_lhs_hint = false} : vector<2048x256xf32>, vector<256x256xf32>, vector<2048x256xf32> -> vector<2048x256xf32>
    %add3A_629 = vector.broadcast %get3A_22 : vector<1x256xf32> to vector<2048x256xf32>
    %add3A_630 = arith.addf %dot_general3A_628, %add3A_629 : vector<2048x256xf32>
    %slice3A_631 = vector.extract_strided_slice %add3A_630 {offsets = [0, 128], sizes = [2048, 128], strides = [1, 1]} : vector<2048x256xf32> to vector<2048x128xf32>
    %swap3A = arith.constant 0 : index
    %swap3A_632 = arith.constant 0 : index
    %swap3A_633 = vector.load %arg13[%swap3A, %swap3A_632] : memref<2048x128xf32, #tpu.memory_space<vmem>>, vector<2048x128xf32>
    tpu.vector_store %arg13[%swap3A, %swap3A_632], %slice3A_631 {strides = array<i32>} : memref<2048x128xf32, #tpu.memory_space<vmem>>, vector<2048x128xf32>,
    %concatenate3A_634 = tpu.concatenate %get3A_10, %get3A_10, %get3A_10, %get3A_10, %get3A_10, %get3A_10, %get3A_10, %get3A_10, %get3A_10, %get3A_10, %get3A_10, %get3A_10, %get3A_10, %get3A_10, %get3A_10, %get3A_10 in 0 : vector<128x128xf32>, vector<128x128xf32>, vector<128x128xf32>, vector<128x128xf32>, vector<128x128xf32>, vector<128x128xf32>, vector<128x128xf32>, vector<128x128xf32>, vector<128x128xf32>, vector<128x128xf32>, vector<128x128xf32>, vector<128x128xf32>, vector<128x128xf32>, vector<128x128xf32>, vector<128x128xf32>, vector<128x128xf32> -> vector<2048x128xf32>
    %slice3A_635 = vector.extract_strided_slice %add3A_630 {offsets = [0, 0], sizes = [2048, 128], strides = [1, 1]} : vector<2048x256xf32> to vector<2048x128xf32>
    %mul3A_636 = arith.mulf %slice3A_635, %concatenate3A_634 : vector<2048x128xf32>
    %broadcast_in_dim3A_637 = arith.constant 1.000000e+00 : f32
    %broadcast_in_dim3A_638 = vector.broadcast %broadcast_in_dim3A_637 : f32 to vector<128x1xf32>
    %dot_general3A_639 = arith.constant dense<0.000000e+00> : vector<2048x1xf32>
    %dot_general3A_640 = tpu.matmul %mul3A_636, %broadcast_in_dim3A_638, %dot_general3A_639 {dimension_numbers = #tpu.dot_dimension_numbers<[1], [0], [0], [1], [0, 0, 1, 1], [], []>, transpose_lhs_hint = false} : vector<2048x128xf32>, vector<128x1xf32>, vector<2048x1xf32> -> vector<2048x1xf32>
    %swap3A_641 = arith.constant 0 : index
    %swap3A_642 = arith.constant 0 : index
    %swap3A_643 = vector.load %arg14[%swap3A_641, %swap3A_642] : memref<2048x1xf32, #tpu.memory_space<vmem>>, vector<2048x1xf32>
    tpu.vector_store %arg14[%swap3A_641, %swap3A_642], %dot_general3A_640 {strides = array<i32>} : memref<2048x1xf32, #tpu.memory_space<vmem>>, vector<2048x1xf32>,
    return
  }
  func.func @transform_0(%arg0: i32) -> i32 {
    %c0_i32 = arith.constant 0 : i32
    %c0_i32_0 = arith.constant 0 : i32
    return %c0_i32 : i32
  }
  func.func @transform_1(%arg0: i32) -> i32 {
    %c0_i32 = arith.constant 0 : i32
    %c0_i32_0 = arith.constant 0 : i32
    return %c0_i32 : i32
  }
  func.func @transform_2(%arg0: i32) -> (i32, i32, i32) {
    %c0_i32 = arith.constant 0 : i32
    %c0_i32_0 = arith.constant 0 : i32
    %c0_i32_1 = arith.constant 0 : i32
    return %arg0, %c0_i32, %c0_i32_0 : i32, i32, i32
  }
  func.func @transform_3(%arg0: i32) -> (i32, i32) {
    %c0_i32 = arith.constant 0 : i32
    %c0_i32_0 = arith.constant 0 : i32
    %c0_i32_1 = arith.constant 0 : i32
    return %c0_i32, %c0_i32_0 : i32, i32
  }
  func.func @transform_4(%arg0: i32) -> (i32, i32) {
    %c0_i32 = arith.constant 0 : i32
    %c0_i32_0 = arith.constant 0 : i32
    %c0_i32_1 = arith.constant 0 : i32
    return %c0_i32, %c0_i32_0 : i32, i32
  }
  func.func @transform_5(%arg0: i32) -> (i32, i32) {
    %c0_i32 = arith.constant 0 : i32
    %c0_i32_0 = arith.constant 0 : i32
    %c0_i32_1 = arith.constant 0 : i32
    return %c0_i32, %c0_i32_0 : i32, i32
  }
  func.func @transform_6(%arg0: i32) -> (i32, i32) {
    %c0_i32 = arith.constant 0 : i32
    %c0_i32_0 = arith.constant 0 : i32
    %c0_i32_1 = arith.constant 0 : i32
    return %c0_i32, %c0_i32_0 : i32, i32
  }
  func.func @transform_7(%arg0: i32) -> (i32, i32) {
    %c0_i32 = arith.constant 0 : i32
    %c0_i32_0 = arith.constant 0 : i32
    return %arg0, %c0_i32 : i32, i32
  }
  func.func @transform_8(%arg0: i32) -> (i32, i32) {
    %c0_i32 = arith.constant 0 : i32
    %c0_i32_0 = arith.constant 0 : i32
    %c0_i32_1 = arith.constant 0 : i32
    return %c0_i32, %c0_i32_0 : i32, i32
  }
  func.func @transform_9(%arg0: i32) -> (i32, i32) {
    %c0_i32 = arith.constant 0 : i32
    %c0_i32_0 = arith.constant 0 : i32
    %c0_i32_1 = arith.constant 0 : i32
    return %c0_i32, %c0_i32_0 : i32, i32
  }
  func.func @transform_10(%arg0: i32) -> (i32, i32) {
    %c0_i32 = arith.constant 0 : i32
    %c0_i32_0 = arith.constant 0 : i32
    %c0_i32_1 = arith.constant 0 : i32
    return %c0_i32, %c0_i32_0 : i32, i32
  }
  func.func @transform_11(%arg0: i32) -> (i32, i32) {
    %c0_i32 = arith.constant 0 : i32
    %c0_i32_0 = arith.constant 0 : i32
    %c0_i32_1 = arith.constant 0 : i32
    return %c0_i32, %c0_i32_0 : i32, i32
  }
  func.func @transform_12(%arg0: i32) -> (i32, i32) {
    %c0_i32 = arith.constant 0 : i32
    %c0_i32_0 = arith.constant 0 : i32
    return %arg0, %c0_i32 : i32, i32
  }
  func.func @transform_13(%arg0: i32) -> (i32, i32) {
    %c0_i32 = arith.constant 0 : i32
    %c0_i32_0 = arith.constant 0 : i32
    return %arg0, %c0_i32 : i32, i32
  }
}

</mosaic_0001>

<sc_bundles>
// kernel: kernel.6.cloned.1.call-start
scs
__scs_entry_jumppad:
0x0: {  	(pc) =	sbr.rel $0x88, $3  }
0x1: {  	(tag) =	ssettag $0x0;
	lr =	simm.s32 $0x1  }
0x2: {  	[smem:$0x3F8E] =	sst lr;
	_ =	strace $0xD0000000  }
0x3: {  	_ = 	snop  }
0x4: {  	_ = 	snop  }
0x5: {  	_ = 	snop  }
0x6: {  	_ = 	snop  }
0x7: {  	_ = 	snop  }
__scs_overlays_trampoline_lowered:
0x8: {  	[smem:$0x3F9D] =	sst s0  }
0x9: {  	[smem:$0x3F9E] =	sst s1  }
0xa: {  	[smem:$0x3F9F] =	sst s2  }
0xb: {  	[smem:$0x3FA0] =	sst s3  }
0xc: {  	[smem:$0x3FA1] =	sst s4  }
0xd: {  	[smem:$0x3FA2] =	sst s5  }
0xe: {  	[smem:$0x3FA3] =	sst s6  }
0xf: {  	[smem:$0x3FA4] =	sst s7  }
0x10: {  	[smem:$0x3FA5] =	sst s8  }
0x11: {  	[smem:$0x3FA6] =	sst s9;
	s0 =	simm.s32 @!p0 $0x0  }
0x12: {  	s1 =	sld [smem:$0x3F8C];
	s0 =	simm.s32 @p0 $0x1  }
0x13: {  	[smem:$0x3FA7] =	sst s0;
	s0 =	simm.s32 @!p1 $0x0  }
0x14: {  	s2 =	sld [smem:$0x3F8B];
	s0 =	simm.s32 @p1 $0x1  }
0x15: {  	[smem:$0x3FA8] =	sst s0;
	s0 =	simm.s32 @!p2 $0x0  }
0x16: {  	s3 =	sld [smem:$0x3FDB];
	s0 =	simm.s32 @p2 $0x1  }
0x17: {  	s4 =	simm.s32 $0x1BF5;
	[smem:$0x3FAA] =	sst s0  }
0x18: {  	s0 =	sld [smem:$0x3F8D];
	_ =	swait.ge [sflag:s4], $0x0  }
0x19: {  	s7 =	sld [smem:$0x3F8E]  }
0x1a: {  	s8 =	sadd.s32 $0xFFFFE003, lr  }
0x1b: {  	s9 =	sadd.s32 $0xFFFFFEF7, lr;
	s5 =	simm.s32 $0xFFFFFFFF;
	p2 =	slt.u32 s8, $0xFFFFF086  }
0x1c: {  	p1 =	slt.u32 s9, $0xF7A;
	s5 =	simm.s32 @!p2 $0x0  }
0x1d: {  	s5 =	simm.s32 @p1 $0x1;
	p0 =	seq.s32 s7, s2  }
0x1e: {  	s7 =	smul.u32 @!p0 $0xF7A, s2;
	p2 =	seq.s32 @!p0 s5, $0x0  }
0x1f: {  	s9 =	smul.u32 $0xF7A, s1;
	s8 =	simm.s32 @!p0 $0x1BF5;
	p2 =	por !p2, p0  }
0x20: {  	[sflag:s8] =	ssyncset.s32 @!p0 $0xFFFFF086;
	s6 =	sadd.s32 @!p0 s3, s7;
	s7 =	simm.s32 @!p0 $0x108  }
0x21: {  	s3 =	sadd.s32 s3, s9;
	s6 =	sadd.s32 @!p0 $0x88, s6;
	s7 =	simm.s32 @p2 $0x1082  }
0x22: {  	[simem:s7], [sflag:s8] =	dma.local @!p0 [hbm:s6], $0xF7A  }
0x23: {  	s9 =	sor.u32 $0xD0000000, s2;
	s6 =	simm.s32 $0x108;
	_ =	swait.ge @!p0 [sflag:s8], $0x0  }
0x24: {  	s3 =	sadd.s32 $0x88, s3;
	s6 =	simm.s32 @!p1 $0x1082;
	[sflag:s4] =	ssyncset.s32 $0xFFFFF086  }
0x25: {  	[simem:s6], [sflag:s4] =	dma.local [hbm:s3], $0xF7A  }
0x26: {  	[smem:$0x3F8E] =	sst s1;
	(tag) =	ssettag s2;
	_ =	strace s9  }
0x27: {  	s1 =	sld [smem:$0x3F9E]  }
0x28: {  	s2 =	sld [smem:$0x3F9F]  }
0x29: {  	s4 =	sld [smem:$0x3FA1]  }
0x2a: {  	p0 =	seq.s32 s5, $0x0;
	s5 =	sld [smem:$0x3FA2]  }
0x2b: {  	s6 =	sld [smem:$0x3FA3]  }
0x2c: {  	s7 =	sld [smem:$0x3FA4]  }
0x2d: {  	s3 =	simm.s32 $0x108;
	s8 =	sld [smem:$0x3FA5]  }
0x2e: {  	s3 =	simm.s32 @!p0 $0x1082;
	s9 =	sld [smem:$0x3FA6]  }
0x2f: {  	lr =	sadd.s32 s0, s3;
	s0 =	sld [smem:$0x3F9D]  }
0x30: {  	s3 =	sld [smem:$0x3FA0]  }
0x31: {  	[smem:$0x3FA9] =	sst s10  }
0x32: {  	s10 =	sld [smem:$0x3FA7];
	_ =	sdelay $0x3  }
0x33: {  	p0 =	seq.s32 s10, $0x1;
	s10 =	sld [smem:$0x3FA9];
	_ =	sdelay $0x3  }
0x34: {  	[smem:$0x3FA9] =	sst s10  }
0x35: {  	s10 =	sld [smem:$0x3FA8];
	_ =	sdelay $0x3  }
0x36: {  	p1 =	seq.s32 s10, $0x1;
	s10 =	sld [smem:$0x3FA9];
	_ =	sdelay $0x3  }
0x37: {  	[smem:$0x3FA9] =	sst s10  }
0x38: {  	s10 =	sld [smem:$0x3FAA]  }
0x39: {  	_ = 	snop;
	(pc) =	sbr.ind lr, $3  }
0x3a: {  	_ = 	snop  }
0x3b: {  	_ = 	snop  }
0x3c: {  	p2 =	seq.s32 s10, $0x1;
	s10 =	sld [smem:$0x3FA9]  }
0x3d: {  	_ =	shalt  }
0x3e: {  	_ =	shalt  }
0x3f: {  	_ =	shalt  }
0x40: {  	_ =	shalt  }
0x41: {  	_ =	shalt  }
0x42: {  	_ =	shalt  }
0x43: {  	_ =	shalt  }
0x44: {  	_ =	shalt  }
0x45: {  	_ =	shalt  }
0x46: {  	_ =	shalt  }
0x47: {  	_ =	shalt  }
0x48: {  	_ =	shalt  }
0x49: {  	_ =	shalt  }
0x4a: {  	_ =	shalt  }
0x4b: {  	_ =	shalt  }
0x4c: {  	_ =	shalt  }
0x4d: {  	_ =	shalt  }
0x4e: {  	_ =	shalt  }
0x4f: {  	_ =	shalt  }
0x50: {  	_ =	shalt  }
0x51: {  	_ =	shalt  }
0x52: {  	_ =	shalt  }
0x53: {  	_ =	shalt  }
0x54: {  	_ =	shalt  }
0x55: {  	_ =	shalt  }
0x56: {  	_ =	shalt  }
0x57: {  	_ =	shalt  }
0x58: {  	_ =	shalt  }
0x59: {  	_ =	shalt  }
0x5a: {  	_ =	shalt  }
0x5b: {  	_ =	shalt  }
0x5c: {  	_ =	shalt  }
0x5d: {  	_ =	shalt  }
0x5e: {  	_ =	shalt  }
0x5f: {  	_ =	shalt  }
0x60: {  	_ =	shalt  }
0x61: {  	_ =	shalt  }
0x62: {  	_ =	shalt  }
0x63: {  	_ =	shalt  }
0x64: {  	_ =	shalt  }
0x65: {  	_ =	shalt  }
0x66: {  	_ =	shalt  }
0x67: {  	_ =	shalt  }
0x68: {  	_ =	shalt  }
0x69: {  	_ =	shalt  }
0x6a: {  	_ =	shalt  }
0x6b: {  	_ =	shalt  }
0x6c: {  	_ =	shalt  }
0x6d: {  	_ =	shalt  }
0x6e: {  	_ =	shalt  }
0x6f: {  	_ =	shalt  }
0x70: {  	_ =	shalt  }
0x71: {  	_ =	shalt  }
0x72: {  	_ =	shalt  }
0x73: {  	_ =	shalt  }
0x74: {  	_ =	shalt  }
0x75: {  	_ =	shalt  }
0x76: {  	_ =	shalt  }
0x77: {  	_ =	shalt  }
0x78: {  	_ =	shalt  }
0x79: {  	_ =	shalt  }
0x7a: {  	_ =	shalt  }
0x7b: {  	_ =	shalt  }
0x7c: {  	_ =	shalt  }
0x7d: {  	_ =	shalt  }
0x7e: {  	_ =	shalt  }
0x7f: {  	_ =	shalt  }
0x80: {  	_ =	shalt  }
0x81: {  	_ =	shalt  }
0x82: {  	_ =	shalt  }
0x83: {  	_ =	shalt  }
0x84: {  	_ =	shalt  }
0x85: {  	_ =	shalt  }
0x86: {  	_ =	shalt  }
0x87: {  	_ =	shalt  }
.Lfunc_end0:
.L_simem_size_0:
called_computation_lowered:
.L_overlay_start_0:
0x88: {  	s2 =	sld [smem:$0x3FD9]  }
0x89: {  	s3 =	sld [smem:$0x3FFE];
	_ =	sdelay $0x1  }
0x8a: {  	s1 =	srdreg.scid  }
0x8b: {  	s0 =	sand.u32 $0x1, s1  }
0x8c: {  	s17 =	sshll.u32 s0, $0xA;
	s2 =	sadd.s32 s3, s2  }
0x8d: {  	s2 =	sadd.s32 s2, s17  }
0x8e: {  	[smem:$0x3FB5] =	sst s2  }
0x8f: {  	_ = 	snop  }
0x90: {  	s2 =	sld [smem:$0x3FC8]  }
0x91: {  	s18 =	sld [smem:$0x3FC1];
	(tm) =	ssettm $0x1  }
0x92: {  	s4 =	sld [smem:$0x3FFB];
	_ =	sdelay $0x3  }
0x93: {  	_ =	strace s4  }
0x94: {  	s4 =	sld [smem:$0x3FFC];
	_ =	sdelay $0x3  }
0x95: {  	_ =	strace s4  }
0x96: {  	s4 =	sld [smem:$0x3FFD];
	_ =	sdelay $0x3  }
0x97: {  	_ =	strace s4  }
0x98: {  	_ =	strace $0x8FFFFFFF  }
0x99: {  	s19 =	sld [smem:$0x3FDB];
	_ =	sdelay $0x1  }
0x9a: {  	s5 =	simm.s32 $_scs_section_size  }
0x9b: {  	s6 =	simm.s32 $_size__tile_overlayer_lowered;
	s7 =	simm.s32 $_tile_overlayer_lowered  }
0x9c: {  	s22 =	simm.s32 $0x1BFF;
	s21 =	sshll.u32 s7, $0x1;
	s4 =	sadd.s32 s5, s19  }
0x9d: {  	s8 =	simm.s32 $0x0;
	s20 =	sshll.u32 s6, $0x1;
	s6 =	sadd.s32 s21, s4  }
0x9e: {  	[timem:s8], [sflag:s22] =	dma.local [hbm:s6], s20  }
0x9f: {  	_ =	swait.ge [sflag:s22], s20  }
0xa0: {  	s5 =	ssub.s32 $0x0, s20;
	[sflag:s22] =	ssyncset.done $0x0  }
0xa1: {  	[sflag:s22] =	ssyncadd.s32 s5;
	_ =	sdelay $0x1  }
0xa2: {  	s23 =	simm.s32 $0x1B8B  }
0xa3: {  	_ =	swait.ge [sflag:s23], $0x1  }
0xa4: {  	[sflag:s23] =	ssyncset.done $0x0  }
0xa5: {  	s25 =	simm.s32 $0x1B8E;
	s24 =	sld [smem:$0x3FFE];
	[sflag:s23] =	ssyncadd.s32 $0xFFFFFFFF  }
0xa6: {  	s26 =	simm.s32 $execute0_lowered;
	[smem:$0x3FD2] =	sst s25  }
0xa7: {  	s6 =	sshll.u32 s26, $0x1;
	_ =	strace $0x80000046;
	[dreg:$0x1] =	wrdreg $0xFFFFFFFF  }
0xa8: {  	s28 =	simm.s32 $_size_execute0_lowered;
	s4 =	sadd.s32 s4, s6;
	[dreg:$0x0] =	wrdreg $0x0  }
0xa9: {  	s6 =	sshll.u32 s28, $0x1;
	[dreg:$0x2] =	wrdreg s4  }
0xaa: {  	[dreg:$0x3] =	wrdreg s6  }
0xab: {  	[dreg:$0x4] =	wrdreg $0xC0  }
0xac: {  	_ =	task [dreg:s8], $0x5FFFF  }
0xad: {  	[dreg:$0x1] =	wrdreg $0xFFFFFFFF  }
0xae: {  	[dreg:$0x0] =	wrdreg $0x60  }
0xaf: {  	[dreg:$0x2] =	wrdreg s2  }
0xb0: {  	[dreg:$0x3] =	wrdreg s18  }
0xb1: {  	[dreg:$0x4] =	wrdreg s24  }
0xb2: {  	[dreg:$0x5] =	wrdreg $0x9  }
0xb3: {  	_ =	task.clear_ibuf [dreg:s8], $0x6FFFF;
	_ =	strace $0x90000046  }
0xb4: {  	s29 =	simm.s32 $0x9;
	_ =	strace $0x80000048  }
0xb5: {  	_ =	swait.ge [sflag:s29], $0x1  }
0xb6: {  	[sflag:s29] =	ssyncadd.s32 $0xFFFFFFFF  }
0xb7: {  	_ =	strace $0x90000048  }
0xb8: {  	_ =	sfence  }
0xb9: {  	s30 =	sld [smem:$0x0];
	_ =	sdelay $0x2  }
0xba: {  	s31 =	sshll.u32 s1, $0xD;
	s1 =	sshrl.u32 s1, $0x2  }
0xbb: {  	s3 =	sand.u32 $0x4000, s31;
	s1 =	sadd.s32 s1, s30  }
0xbc: {  	s0 =	sor.u32 s3, s0;
	s1 =	sshll.u32 s1, $0x11  }
0xbd: {  	s0 =	sor.u32 s1, s0  }
0xbe: {  	s0 =	sadd.s32 $0x8F2B, s0  }
0xbf: {  	[sflag:s0] =	ssyncadd.remote.s32 $0x1  }
0xc0: {  	_ =	sfence.sel $0xFFFF  }
0xc1: {  	[dreg:$0x0] =	wrdreg $0xFFFFFFFF;
	(pc) =	sbr.abs _section_cstart, $3  }
0xc2: {  	[dreg:$0x1] =	wrdreg $0xFFFFFFFF  }
0xc3: {  	_ =	task.clear_ibuf [dreg:s8], $0x2FFFF;
	_ =	strace $0x9FFFFFFF  }
0xc4: {  	(tm) =	ssettm $0x7FFFFFFF  }
0xc5: {  	_ =	shalt  }
tec
execute0_lowered:
.L_overlay_start_1:
0x0: {  	(tag) =	ssettag $0x1  }
0x1: {  	s4 =	rddreg [dreg:$0x0]  }
0x2: {  	s2 =	rddreg [dreg:$0x1];
	s1 =	srdreg.scid  }
0x3: {  	s0 =	stileid.u32;
	s9 =	rddreg [dreg:$0x2];
	s3 =	simm.s32 $0x0  }
0x4: {  	s7 =	simm.s32 $0x80;
	s6 =	sand.u32 $0x1, s1;
	s5 =	sshll.u32 s0, $0x1  }
0x5: {  	s8 =	simm.s32 $0x1;
	[smem:$0x7FF] =	sst s3;
	s10 =	sor.u32 s6, s5  }
0x6: {  	s1 =	rddreg [dreg:$0x3];
	_ =	strace $0x80000047;
	s5 =	sshll.u32 s10, $0x4  }
0x7: {  	s11 =	ssub.s32 $0x2, s6;
	s5 =	sadd.s32 s4, s5;
	s4 =	simm.s32 $0x2  }
0x8: {  	[tilespmem:s3], [sflag:$0x2] =	stream.linear.gather [hbm4b:s5+s3], $0x80, $0x38;
	[tilespmem:$0x2080] =	vst v63  }
0x9: {  	s6 =	simm.s32 $0x40;
	s12 =	sshrl.u32 s11, $0x1;
	_ =	swait.ge [sflag:s4], $0x80  }
0xa: {  	s10 =	sshll.u32 s10, $0xA;
	s31 =	ssub.s32 s11, s12;
	[sflag:s4] =	ssyncset.done $0x0  }
0xb: {  	s9 =	sadd.s32 s10, s9;
	s10 =	smax.u32 s31, $0x1;
	[sflag:s4] =	ssyncadd.s32 $0xFFFFFF80  }
0xc: {  	[tilespmem:s7], [sflag:$0x1] =	stream.indirect.gather [hbm4b:s2+s6], $0x80, s3, s6, $0xb8;
	[tilespmem:$0x2080] =	vst v63  }
0xd: {  	p0 =	sne.s32 s10, $0x1;
	_ =	swait.ge [sflag:s8], $0x2000  }
.Ltmp0:
0xe: {  	[sflag:s8] =	ssyncset.done $0x0;
	(pc) =	sbr.rel @!p0 .LBB2_2-.Ltmp0, $4  }
0xf: {  	s9 =	sadd.s32 $0x2400, s9;
	[sflag:s8] =	ssyncadd.s32 $0xFFFFE000  }
0x10: {  	[hbm4b:s9+s3] =	stream.linear.scatter [tilespmem:s7], [sflag:$0x2], $0x2000, $0x38;
	[tilespmem:$0x2080] =	vst v63  }
0x11: {  	_ =	swait.ge [sflag:s4], $0x2000  }
0x12: {  	s10 =	sadd.s32 $0xFFFFFFFF, s10;
	[sflag:s4] =	ssyncset.done $0x0  }
.LBB2_1:
0x13: {  	p0 =	sne.s32 s10, $0x1;
	s10 =	sadd.s32 $0xFFFFFFFF, s10;
	[sflag:s4] =	ssyncadd.s32 $0xFFFFE000  }
0x14: {  	[tilespmem:s3], [sflag:$0x2] =	stream.linear.gather [hbm4b:s5+s3], $0x80, $0x38;
	[tilespmem:$0x2080] =	vst v63  }
0x15: {  	_ =	swait.ge [sflag:s4], $0x80  }
0x16: {  	[sflag:s4] =	ssyncset.done $0x0  }
0x17: {  	[sflag:s4] =	ssyncadd.s32 $0xFFFFFF80  }
0x18: {  	[tilespmem:s7], [sflag:$0x1] =	stream.indirect.gather [hbm4b:s2+s6], $0x80, s3, s6, $0xb8;
	[tilespmem:$0x2080] =	vst v63  }
0x19: {  	_ =	swait.ge [sflag:s8], $0x2000  }
.Ltmp1:
0x1a: {  	[sflag:s8] =	ssyncset.done $0x0;
	(pc) =	sbr.rel @p0 .LBB2_1-.Ltmp1, $4  }
0x1b: {  	[sflag:s8] =	ssyncadd.s32 $0xFFFFE000  }
0x1c: {  	[hbm4b:s9+s3] =	stream.linear.scatter [tilespmem:s7], [sflag:$0x2], $0x2000, $0x38;
	[tilespmem:$0x2080] =	vst v63  }
0x1d: {  	_ =	swait.ge [sflag:s4], $0x2000  }
0x1e: {  	[sflag:s4] =	ssyncset.done $0x0  }
.LBB2_2:
0x1f: {  	[sflag:s4] =	ssyncadd.s32 $0xFFFFE000  }
0x20: {  	_ =	sfence.sel $0x180000  }
0x21: {  	[bflag:$0x0] =	sbarrier.arrive $0xFFFF  }
0x22: {  	p0 =	sne.s32 s0, $0x0;
	_ =	strace $0x90000047  }
0x23: {  	s0 =	sadd.s32 @!p0 $0x100000, s1;
	[bflag:$0x2] =	sbarrier.arrive $0xFFFF  }
0x24: {  	[sflag:s0] =	ssyncadd.tile.s32 @!p0 $0x1;
	_ =	shalt  }
.Lfunc_end2:
_tile_overlayer_lowered:
.L_overlay_start_2:
0x25: {  	(tag) =	ssettag $0x2  }
0x26: {  	s0 =	rddreg [dreg:$0x0];
	s2 =	stileid.u32  }
0x27: {  	s1 =	rddreg [dreg:$0x1];
	p0 =	sne.s32 s2, $0x0  }
0x28: {  	s3 =	rddreg [dreg:$0x2];
	[bflag:$0x3] =	sbarrier.arrive $0xFFFF;
	s2 =	simm.s32 @!p0 $0x1C02  }
0x29: {  	[timem:s3], [sflag:s2] =	dma.local @!p0 [hbm:s0], s1  }
0x2a: {  	s0 =	simm.s32 @!p0 $0x2  }
0x2b: {  	_ =	swait.ge @!p0 [sflag:s0], s1  }
0x2c: {  	s1 =	ssub.s32 @!p0 $0x0, s1;
	[sflag:s0] =	ssyncset.done @!p0 $0x0  }
0x2d: {  	[sflag:s0] =	ssyncadd.s32 @!p0 s1  }
0x2e: {  	[bflag:$0x3] =	sbarrier.arrive $0xFFFF  }
0x2f: {  	_ =	shalt  }

// kernel: kernel.9.cloned.1.call-start
scs
__scs_entry_jumppad:
0x0: {  	(pc) =	sbr.rel $0x88, $3  }
0x1: {  	(tag) =	ssettag $0x0;
	lr =	simm.s32 $0x1  }
0x2: {  	[smem:$0x3F8E] =	sst lr;
	_ =	strace $0xD0000000  }
0x3: {  	_ = 	snop  }
0x4: {  	_ = 	snop  }
0x5: {  	_ = 	snop  }
0x6: {  	_ = 	snop  }
0x7: {  	_ = 	snop  }
__scs_overlays_trampoline_lowered:
0x8: {  	[smem:$0x3F9D] =	sst s0  }
0x9: {  	[smem:$0x3F9E] =	sst s1  }
0xa: {  	[smem:$0x3F9F] =	sst s2  }
0xb: {  	[smem:$0x3FA0] =	sst s3  }
0xc: {  	[smem:$0x3FA1] =	sst s4  }
0xd: {  	[smem:$0x3FA2] =	sst s5  }
0xe: {  	[smem:$0x3FA3] =	sst s6  }
0xf: {  	[smem:$0x3FA4] =	sst s7  }
0x10: {  	[smem:$0x3FA5] =	sst s8  }
0x11: {  	[smem:$0x3FA6] =	sst s9;
	s0 =	simm.s32 @!p0 $0x0  }
0x12: {  	s1 =	sld [smem:$0x3F8C];
	s0 =	simm.s32 @p0 $0x1  }
0x13: {  	[smem:$0x3FA7] =	sst s0;
	s0 =	simm.s32 @!p1 $0x0  }
0x14: {  	s2 =	sld [smem:$0x3F8B];
	s0 =	simm.s32 @p1 $0x1  }
0x15: {  	[smem:$0x3FA8] =	sst s0;
	s0 =	simm.s32 @!p2 $0x0  }
0x16: {  	s3 =	sld [smem:$0x3FDB];
	s0 =	simm.s32 @p2 $0x1  }
0x17: {  	s4 =	simm.s32 $0x1BF5;
	[smem:$0x3FAA] =	sst s0  }
0x18: {  	s0 =	sld [smem:$0x3F8D];
	_ =	swait.ge [sflag:s4], $0x0  }
0x19: {  	s7 =	sld [smem:$0x3F8E]  }
0x1a: {  	s8 =	sadd.s32 $0xFFFFE003, lr  }
0x1b: {  	s9 =	sadd.s32 $0xFFFFFEF7, lr;
	s5 =	simm.s32 $0xFFFFFFFF;
	p2 =	slt.u32 s8, $0xFFFFF086  }
0x1c: {  	p1 =	slt.u32 s9, $0xF7A;
	s5 =	simm.s32 @!p2 $0x0  }
0x1d: {  	s5 =	simm.s32 @p1 $0x1;
	p0 =	seq.s32 s7, s2  }
0x1e: {  	s7 =	smul.u32 @!p0 $0xF7A, s2;
	p2 =	seq.s32 @!p0 s5, $0x0  }
0x1f: {  	s9 =	smul.u32 $0xF7A, s1;
	s8 =	simm.s32 @!p0 $0x1BF5;
	p2 =	por !p2, p0  }
0x20: {  	[sflag:s8] =	ssyncset.s32 @!p0 $0xFFFFF086;
	s6 =	sadd.s32 @!p0 s3, s7;
	s7 =	simm.s32 @!p0 $0x108  }
0x21: {  	s3 =	sadd.s32 s3, s9;
	s6 =	sadd.s32 @!p0 $0x88, s6;
	s7 =	simm.s32 @p2 $0x1082  }
0x22: {  	[simem:s7], [sflag:s8] =	dma.local @!p0 [hbm:s6], $0xF7A  }
0x23: {  	s9 =	sor.u32 $0xD0000000, s2;
	s6 =	simm.s32 $0x108;
	_ =	swait.ge @!p0 [sflag:s8], $0x0  }
0x24: {  	s3 =	sadd.s32 $0x88, s3;
	s6 =	simm.s32 @!p1 $0x1082;
	[sflag:s4] =	ssyncset.s32 $0xFFFFF086  }
0x25: {  	[simem:s6], [sflag:s4] =	dma.local [hbm:s3], $0xF7A  }
0x26: {  	[smem:$0x3F8E] =	sst s1;
	(tag) =	ssettag s2;
	_ =	strace s9  }
0x27: {  	s1 =	sld [smem:$0x3F9E]  }
0x28: {  	s2 =	sld [smem:$0x3F9F]  }
0x29: {  	s4 =	sld [smem:$0x3FA1]  }
0x2a: {  	p0 =	seq.s32 s5, $0x0;
	s5 =	sld [smem:$0x3FA2]  }
0x2b: {  	s6 =	sld [smem:$0x3FA3]  }
0x2c: {  	s7 =	sld [smem:$0x3FA4]  }
0x2d: {  	s3 =	simm.s32 $0x108;
	s8 =	sld [smem:$0x3FA5]  }
0x2e: {  	s3 =	simm.s32 @!p0 $0x1082;
	s9 =	sld [smem:$0x3FA6]  }
0x2f: {  	lr =	sadd.s32 s0, s3;
	s0 =	sld [smem:$0x3F9D]  }
0x30: {  	s3 =	sld [smem:$0x3FA0]  }
0x31: {  	[smem:$0x3FA9] =	sst s10  }
0x32: {  	s10 =	sld [smem:$0x3FA7];
	_ =	sdelay $0x3  }
0x33: {  	p0 =	seq.s32 s10, $0x1;
	s10 =	sld [smem:$0x3FA9];
	_ =	sdelay $0x3  }
0x34: {  	[smem:$0x3FA9] =	sst s10  }
0x35: {  	s10 =	sld [smem:$0x3FA8];
	_ =	sdelay $0x3  }
0x36: {  	p1 =	seq.s32 s10, $0x1;
	s10 =	sld [smem:$0x3FA9];
	_ =	sdelay $0x3  }
0x37: {  	[smem:$0x3FA9] =	sst s10  }
0x38: {  	s10 =	sld [smem:$0x3FAA]  }
0x39: {  	_ = 	snop;
	(pc) =	sbr.ind lr, $3  }
0x3a: {  	_ = 	snop  }
0x3b: {  	_ = 	snop  }
0x3c: {  	p2 =	seq.s32 s10, $0x1;
	s10 =	sld [smem:$0x3FA9]  }
0x3d: {  	_ =	shalt  }
0x3e: {  	_ =	shalt  }
0x3f: {  	_ =	shalt  }
0x40: {  	_ =	shalt  }
0x41: {  	_ =	shalt  }
0x42: {  	_ =	shalt  }
0x43: {  	_ =	shalt  }
0x44: {  	_ =	shalt  }
0x45: {  	_ =	shalt  }
0x46: {  	_ =	shalt  }
0x47: {  	_ =	shalt  }
0x48: {  	_ =	shalt  }
0x49: {  	_ =	shalt  }
0x4a: {  	_ =	shalt  }
0x4b: {  	_ =	shalt  }
0x4c: {  	_ =	shalt  }
0x4d: {  	_ =	shalt  }
0x4e: {  	_ =	shalt  }
0x4f: {  	_ =	shalt  }
0x50: {  	_ =	shalt  }
0x51: {  	_ =	shalt  }
0x52: {  	_ =	shalt  }
0x53: {  	_ =	shalt  }
0x54: {  	_ =	shalt  }
0x55: {  	_ =	shalt  }
0x56: {  	_ =	shalt  }
0x57: {  	_ =	shalt  }
0x58: {  	_ =	shalt  }
0x59: {  	_ =	shalt  }
0x5a: {  	_ =	shalt  }
0x5b: {  	_ =	shalt  }
0x5c: {  	_ =	shalt  }
0x5d: {  	_ =	shalt  }
0x5e: {  	_ =	shalt  }
0x5f: {  	_ =	shalt  }
0x60: {  	_ =	shalt  }
0x61: {  	_ =	shalt  }
0x62: {  	_ =	shalt  }
0x63: {  	_ =	shalt  }
0x64: {  	_ =	shalt  }
0x65: {  	_ =	shalt  }
0x66: {  	_ =	shalt  }
0x67: {  	_ =	shalt  }
0x68: {  	_ =	shalt  }
0x69: {  	_ =	shalt  }
0x6a: {  	_ =	shalt  }
0x6b: {  	_ =	shalt  }
0x6c: {  	_ =	shalt  }
0x6d: {  	_ =	shalt  }
0x6e: {  	_ =	shalt  }
0x6f: {  	_ =	shalt  }
0x70: {  	_ =	shalt  }
0x71: {  	_ =	shalt  }
0x72: {  	_ =	shalt  }
0x73: {  	_ =	shalt  }
0x74: {  	_ =	shalt  }
0x75: {  	_ =	shalt  }
0x76: {  	_ =	shalt  }
0x77: {  	_ =	shalt  }
0x78: {  	_ =	shalt  }
0x79: {  	_ =	shalt  }
0x7a: {  	_ =	shalt  }
0x7b: {  	_ =	shalt  }
0x7c: {  	_ =	shalt  }
0x7d: {  	_ =	shalt  }
0x7e: {  	_ =	shalt  }
0x7f: {  	_ =	shalt  }
0x80: {  	_ =	shalt  }
0x81: {  	_ =	shalt  }
0x82: {  	_ =	shalt  }
0x83: {  	_ =	shalt  }
0x84: {  	_ =	shalt  }
0x85: {  	_ =	shalt  }
0x86: {  	_ =	shalt  }
0x87: {  	_ =	shalt  }
.Lfunc_end0:
.L_simem_size_0:
called_computation.1_lowered:
.L_overlay_start_0:
0x88: {  	s2 =	sld [smem:$0x3FD9]  }
0x89: {  	s3 =	sld [smem:$0x3FFE];
	_ =	sdelay $0x1  }
0x8a: {  	s1 =	srdreg.scid  }
0x8b: {  	s0 =	sand.u32 $0x1, s1  }
0x8c: {  	s17 =	sshll.u32 s0, $0xA;
	s2 =	sadd.s32 s3, s2  }
0x8d: {  	s2 =	sadd.s32 s2, s17  }
0x8e: {  	[smem:$0x3FB5] =	sst s2  }
0x8f: {  	_ = 	snop  }
0x90: {  	s18 =	sld [smem:$0x3FC3]  }
0x91: {  	s4 =	sld [smem:$0x3FBF];
	(tm) =	ssettm $0x1  }
0x92: {  	s19 =	sld [smem:$0x3FFB];
	_ =	sdelay $0x3  }
0x93: {  	_ =	strace s19  }
0x94: {  	s2 =	sld [smem:$0x3FFC];
	_ =	sdelay $0x3  }
0x95: {  	_ =	strace s2  }
0x96: {  	s2 =	sld [smem:$0x3FFD];
	_ =	sdelay $0x3  }
0x97: {  	_ =	strace s2  }
0x98: {  	_ =	strace $0x8FFFFFFF  }
0x99: {  	s20 =	sld [smem:$0x3FDB];
	_ =	sdelay $0x1  }
0x9a: {  	s5 =	simm.s32 $_scs_section_size  }
0x9b: {  	s6 =	simm.s32 $_size__tile_overlayer_lowered;
	s7 =	simm.s32 $_tile_overlayer_lowered  }
0x9c: {  	s8 =	simm.s32 $0x1BFF;
	s21 =	sshll.u32 s7, $0x1;
	s5 =	sadd.s32 s5, s20  }
0x9d: {  	s22 =	simm.s32 $0x0;
	s6 =	sshll.u32 s6, $0x1;
	s7 =	sadd.s32 s21, s5  }
0x9e: {  	[timem:s22], [sflag:s8] =	dma.local [hbm:s7], s6  }
0x9f: {  	_ =	swait.ge [sflag:s8], s6  }
0xa0: {  	s6 =	ssub.s32 $0x0, s6;
	[sflag:s8] =	ssyncset.done $0x0  }
0xa1: {  	[sflag:s8] =	ssyncadd.s32 s6;
	_ =	sdelay $0x1  }
0xa2: {  	s23 =	simm.s32 $0x1B8B  }
0xa3: {  	_ =	swait.ge [sflag:s23], $0x1  }
0xa4: {  	[sflag:s23] =	ssyncset.done $0x0  }
0xa5: {  	[sflag:s23] =	ssyncadd.s32 $0xFFFFFFFF  }
0xa6: {  	s6 =	sld [smem:$0x0]  }
0xa7: {  	s7 =	sand.u32 $0xFFFFFFFE, s1  }
0xa8: {  	p0 =	sne.s32 s1, s7  }
0xa9: {  	s7 =	sshll.u32 @p0 s7, $0xE  }
0xaa: {  	s7 =	sadd.s32 @p0 $0x11B8D, s7;
	s8 =	sshll.u32 @p0 s6, $0x11  }
0xab: {  	s7 =	sor.u32 @p0 s8, s7  }
0xac: {  	[sflag:s7] =	ssyncadd.remote.s32 @p0 $0x1;
	_ =	sdelay $0x1  }
0xad: {  	s7 =	simm.s32 @p0 $0x1B8D  }
0xae: {  	_ =	swait.eq @p0 [sflag:s7], $0x1  }
0xaf: {  	[sflag:s7] =	ssyncadd.s32 @p0 $0xFFFFFFFF  }
0xb0: {  	s8 =	sshll.u32 @!p0 s1, $0xE  }
0xb1: {  	s8 =	sor.u32 @!p0 $0x4000, s8;
	s7 =	simm.s32 @!p0 $0x1B8D  }
0xb2: {  	s6 =	sshll.u32 @!p0 s6, $0x11;
	s8 =	sadd.s32 @!p0 $0x11B8D, s8;
	_ =	swait.eq @!p0 [sflag:s7], $0x1  }
0xb3: {  	s6 =	sor.u32 @!p0 s6, s8;
	[sflag:s7] =	ssyncadd.s32 @!p0 $0xFFFFFFFF  }
0xb4: {  	s25 =	simm.s32 $0x1B8E;
	s24 =	sld [smem:$0x3FFE];
	[sflag:s6] =	ssyncadd.remote.s32 @!p0 $0x1  }
0xb5: {  	s26 =	simm.s32 $execute0_lowered;
	[smem:$0x3FD2] =	sst s25  }
0xb6: {  	s7 =	sshll.u32 s26, $0x1;
	_ =	strace $0x80000049;
	[dreg:$0x1] =	wrdreg $0xFFFFFFFF  }
0xb7: {  	s28 =	simm.s32 $_size_execute0_lowered;
	s5 =	sadd.s32 s5, s7;
	[dreg:$0x0] =	wrdreg $0x0  }
0xb8: {  	s7 =	sshll.u32 s28, $0x1;
	[dreg:$0x2] =	wrdreg s5  }
0xb9: {  	[dreg:$0x3] =	wrdreg s7  }
0xba: {  	[dreg:$0x4] =	wrdreg $0xC0  }
0xbb: {  	_ =	task [dreg:s22], $0x5FFFF  }
0xbc: {  	[dreg:$0x1] =	wrdreg $0xFFFFFFFF  }
0xbd: {  	[dreg:$0x0] =	wrdreg $0x60  }
0xbe: {  	[dreg:$0x2] =	wrdreg s18  }
0xbf: {  	[dreg:$0x3] =	wrdreg s4  }
0xc0: {  	[dreg:$0x4] =	wrdreg s24  }
0xc1: {  	[dreg:$0x5] =	wrdreg $0xA  }
0xc2: {  	_ =	task.clear_ibuf [dreg:s22], $0x6FFFF;
	_ =	strace $0x90000049  }
0xc3: {  	s29 =	simm.s32 $0xA;
	_ =	strace $0x8000004B  }
0xc4: {  	_ =	swait.ge [sflag:s29], $0x1  }
0xc5: {  	[sflag:s29] =	ssyncadd.s32 $0xFFFFFFFF  }
0xc6: {  	_ =	strace $0x9000004B  }
0xc7: {  	_ =	sfence  }
0xc8: {  	s30 =	sld [smem:$0x0];
	_ =	sdelay $0x2  }
0xc9: {  	s31 =	sshll.u32 s1, $0xD;
	s1 =	sshrl.u32 s1, $0x2  }
0xca: {  	s4 =	sand.u32 $0x4000, s31;
	s1 =	sadd.s32 s1, s30  }
0xcb: {  	s0 =	sor.u32 s4, s0;
	s1 =	sshll.u32 s1, $0x11  }
0xcc: {  	s0 =	sor.u32 s1, s0  }
0xcd: {  	s0 =	sadd.s32 $0x8F2B, s0  }
0xce: {  	[sflag:s0] =	ssyncadd.remote.s32 $0x1  }
0xcf: {  	_ =	sfence.sel $0xFFFF  }
0xd0: {  	[dreg:$0x0] =	wrdreg $0xFFFFFFFF;
	(pc) =	sbr.abs _section_cstart, $3  }
0xd1: {  	[dreg:$0x1] =	wrdreg $0xFFFFFFFF  }
0xd2: {  	_ =	task.clear_ibuf [dreg:s22], $0x2FFFF;
	_ =	strace $0x9FFFFFFF  }
0xd3: {  	(tm) =	ssettm $0x7FFFFFFF  }
tec
execute0_lowered:
.L_overlay_start_1:
0x0: {  	(tag) =	ssettag $0x1  }
0x1: {  	s4 =	rddreg [dreg:$0x0]  }
0x2: {  	s1 =	srdreg.scid;
	s0 =	stileid.u32  }
0x3: {  	s2 =	rddreg [dreg:$0x1];
	s12 =	sand.u32 $0x1, s1;
	s31 =	sshll.u32 s0, $0x1  }
0x4: {  	s11 =	rddreg [dreg:$0x2];
	s13 =	sor.u32 s12, s31  }
0x5: {  	s3 =	simm.s32 $0x0;
	s5 =	sshll.u32 s0, $0x6;
	s6 =	sshll.u32 s13, $0x4  }
0x6: {  	s1 =	rddreg [dreg:$0x3];
	s5 =	sand.u32 $0x300, s5;
	s6 =	sand.u32 $0x70, s6  }
0x7: {  	[smem:$0x7FF] =	sst s3;
	s5 =	sor.u32 s5, s6  }
0x8: {  	_ =	strace $0x8000004A;
	s5 =	sadd.s32 s4, s5;
	s4 =	simm.s32 $0x3  }
0x9: {  	[tilespmem:s3], [sflag:$0x3] =	stream.linear.gather [hbm4b:s5+s3], $0x80, $0x38;
	[tilespmem:$0x8100] =	vst v63  }
0xa: {  	_ =	swait.ge [sflag:s4], $0x80  }
0xb: {  	[sflag:s4] =	ssyncset.done $0x0  }
0xc: {  	s7 =	simm.s32 $0x80;
	s6 =	sadd.s32 $0x80, s5;
	[sflag:s4] =	ssyncadd.s32 $0xFFFFFF80  }
0xd: {  	[tilespmem:s7], [sflag:$0x3] =	stream.linear.gather [hbm4b:s6+s3], $0x80, $0x38;
	[tilespmem:$0x8100] =	vst v63  }
0xe: {  	_ =	swait.ge [sflag:s4], $0x80  }
0xf: {  	[sflag:s4] =	ssyncset.done $0x0  }
0x10: {  	s8 =	simm.s32 $0x100;
	[sflag:s4] =	ssyncadd.s32 $0xFFFFFF80  }
0x11: {  	[tilespmem:s8], [sflag:$0x1] =	stream.indirect.gather [hbm4b:s2+s7], $0x80, s3, s7, $0xb8;
	[tilespmem:$0x8100] =	vst v63  }
0x12: {  	s9 =	simm.s32 $0x4100;
	s10 =	simm.s32 $0x1  }
0x13: {  	[tilespmem:s9], [sflag:$0x2] =	stream.indirect.gather [hbm4b:s2+s7], $0x80, s7, s7, $0xb8;
	[tilespmem:$0x8100] =	vst v63  }
0x14: {  	s13 =	sshll.u32 s13, $0xC;
	_ =	swait.ge [sflag:s10], $0x4000  }
0x15: {  	s13 =	sadd.s32 s13, s11;
	[sflag:s10] =	ssyncset.done $0x0  }
0x16: {  	s14 =	ssub.s32 $0x2, s12;
	s11 =	sadd.s32 $0xA400, s13;
	[sflag:s10] =	ssyncadd.s32 $0xFFFFC000  }
0x17: {  	[hbm4b:s11+s3] =	stream.linear.scatter [tilespmem:s8], [sflag:$0x3], $0x4000, $0x38;
	[tilespmem:$0x8100] =	vst v63  }
0x18: {  	s15 =	sshrl.u32 s14, $0x1;
	_ =	swait.ge [sflag:s4], $0x4000  }
0x19: {  	s14 =	ssub.s32 s14, s15;
	[sflag:s4] =	ssyncset.done $0x0  }
0x1a: {  	s12 =	simm.s32 $0x2;
	s14 =	smax.u32 s14, $0x1;
	[sflag:s4] =	ssyncadd.s32 $0xFFFFC000  }
0x1b: {  	p0 =	sne.s32 s14, $0x1;
	_ =	swait.ge [sflag:s12], $0x4000  }
.Ltmp0:
0x1c: {  	[sflag:s12] =	ssyncset.done $0x0;
	(pc) =	sbr.rel @!p0 .LBB2_2-.Ltmp0, $4  }
0x1d: {  	s13 =	sadd.s32 $0xAC00, s13;
	[sflag:s12] =	ssyncadd.s32 $0xFFFFC000  }
0x1e: {  	[hbm4b:s13+s3] =	stream.linear.scatter [tilespmem:s9], [sflag:$0x3], $0x4000, $0x38;
	[tilespmem:$0x8100] =	vst v63  }
0x1f: {  	_ =	swait.ge [sflag:s4], $0x4000  }
0x20: {  	s14 =	sadd.s32 $0xFFFFFFFF, s14;
	[sflag:s4] =	ssyncset.done $0x0  }
.LBB2_1:
0x21: {  	p0 =	sne.s32 s14, $0x1;
	s14 =	sadd.s32 $0xFFFFFFFF, s14;
	[sflag:s4] =	ssyncadd.s32 $0xFFFFC000  }
0x22: {  	[tilespmem:s3], [sflag:$0x3] =	stream.linear.gather [hbm4b:s5+s3], $0x80, $0x38;
	[tilespmem:$0x8100] =	vst v63  }
0x23: {  	_ =	swait.ge [sflag:s4], $0x80  }
0x24: {  	[sflag:s4] =	ssyncset.done $0x0  }
0x25: {  	[sflag:s4] =	ssyncadd.s32 $0xFFFFFF80  }
0x26: {  	[tilespmem:s7], [sflag:$0x3] =	stream.linear.gather [hbm4b:s6+s3], $0x80, $0x38;
	[tilespmem:$0x8100] =	vst v63  }
0x27: {  	_ =	swait.ge [sflag:s4], $0x80  }
0x28: {  	[sflag:s4] =	ssyncset.done $0x0  }
0x29: {  	[sflag:s4] =	ssyncadd.s32 $0xFFFFFF80  }
0x2a: {  	[tilespmem:s8], [sflag:$0x1] =	stream.indirect.gather [hbm4b:s2+s7], $0x80, s3, s7, $0xb8;
	[tilespmem:$0x8100] =	vst v63  }
0x2b: {  	_ = 	snop  }
0x2c: {  	[tilespmem:s9], [sflag:$0x2] =	stream.indirect.gather [hbm4b:s2+s7], $0x80, s7, s7, $0xb8;
	[tilespmem:$0x8100] =	vst v63  }
0x2d: {  	_ =	swait.ge [sflag:s10], $0x4000  }
0x2e: {  	[sflag:s10] =	ssyncset.done $0x0  }
0x2f: {  	[sflag:s10] =	ssyncadd.s32 $0xFFFFC000  }
0x30: {  	[hbm4b:s11+s3] =	stream.linear.scatter [tilespmem:s8], [sflag:$0x3], $0x4000, $0x38;
	[tilespmem:$0x8100] =	vst v63  }
0x31: {  	_ =	swait.ge [sflag:s4], $0x4000  }
0x32: {  	[sflag:s4] =	ssyncset.done $0x0  }
0x33: {  	[sflag:s4] =	ssyncadd.s32 $0xFFFFC000  }
0x34: {  	_ =	swait.ge [sflag:s12], $0x4000  }
.Ltmp1:
0x35: {  	[sflag:s12] =	ssyncset.done $0x0;
	(pc) =	sbr.rel @p0 .LBB2_1-.Ltmp1, $4  }
0x36: {  	[sflag:s12] =	ssyncadd.s32 $0xFFFFC000  }
0x37: {  	[hbm4b:s13+s3] =	stream.linear.scatter [tilespmem:s9], [sflag:$0x3], $0x4000, $0x38;
	[tilespmem:$0x8100] =	vst v63  }
0x38: {  	_ =	swait.ge [sflag:s4], $0x4000  }
0x39: {  	[sflag:s4] =	ssyncset.done $0x0  }
.LBB2_2:
0x3a: {  	[sflag:s4] =	ssyncadd.s32 $0xFFFFC000  }
0x3b: {  	_ =	sfence.sel $0x180000  }
0x3c: {  	[bflag:$0x0] =	sbarrier.arrive $0xFFFF  }
0x3d: {  	p0 =	sne.s32 s0, $0x0;
	_ =	strace $0x9000004A  }
0x3e: {  	s0 =	sadd.s32 @!p0 $0x100000, s1;
	[bflag:$0x2] =	sbarrier.arrive $0xFFFF  }
0x3f: {  	[sflag:s0] =	ssyncadd.tile.s32 @!p0 $0x1;
	_ =	shalt  }
.Lfunc_end2:
_tile_overlayer_lowered:
.L_overlay_start_2:
0x40: {  	(tag) =	ssettag $0x2  }
0x41: {  	s0 =	rddreg [dreg:$0x0];
	s2 =	stileid.u32  }
0x42: {  	s1 =	rddreg [dreg:$0x1];
	p0 =	sne.s32 s2, $0x0  }
0x43: {  	s3 =	rddreg [dreg:$0x2];
	[bflag:$0x3] =	sbarrier.arrive $0xFFFF;
	s2 =	simm.s32 @!p0 $0x1C03  }
0x44: {  	[timem:s3], [sflag:s2] =	dma.local @!p0 [hbm:s0], s1  }
0x45: {  	s0 =	simm.s32 @!p0 $0x3  }
0x46: {  	_ =	swait.ge @!p0 [sflag:s0], s1  }
0x47: {  	s1 =	ssub.s32 @!p0 $0x0, s1;
	[sflag:s0] =	ssyncset.done @!p0 $0x0  }
0x48: {  	[sflag:s0] =	ssyncadd.s32 @!p0 s1  }
0x49: {  	[bflag:$0x3] =	sbarrier.arrive $0xFFFF  }
0x4a: {  	_ =	shalt  }

</sc_bundles>
